<compile_context>
chip_gen: v7x
topology: tpu7x:2x2x1
jax: 0.10.2.dev20260603
libtpu: 0.0.44.dev20260713+nightly
codegen_flags: <defaults>
</compile_context>

<pallas_src>
import functools

import jax
import jax.numpy as jnp
from jax import lax
from jax.experimental import pallas as pl
from jax.experimental.pallas import tpu as pltpu
from jax.experimental.pallas import tpu_sc as plsc

H_DIM = 64
N_RES = 2
N_EMB = 8192
BETA = 0.25


def _conv(x, w, b, stride):
    y = lax.conv_general_dilated(x, w, (stride, stride), 'SAME',
                                 dimension_numbers=('NCHW', 'OIHW', 'NCHW'))
    return y + b[None, :, None, None]


def _convT(x, w, b):
    y = lax.conv_transpose(x, w, (2, 2), 'SAME',
                           dimension_numbers=('NCHW', 'OIHW', 'NCHW'))
    return y + b[None, :, None, None]


def _expmap0(u, c):
    sc = jnp.sqrt(c)
    r = jnp.sqrt(jnp.sum(u * u, axis=-1, keepdims=True))
    r = jnp.maximum(r, 1e-8)
    phi = sc * r
    x0 = jnp.cosh(phi) / sc
    xs = jnp.sinh(phi) * u / (sc * r)
    return jnp.concatenate([x0, xs], axis=-1)


def _logmap0(x, c):
    sc = jnp.sqrt(c)
    x0 = x[..., :1]
    xs = x[..., 1:]
    theta = jnp.arccosh(jnp.maximum(sc * x0, 1.0 + 1e-7))
    u = xs * theta / jnp.maximum(jnp.sinh(theta), 1e-8)
    return jnp.concatenate([jnp.zeros_like(x0), u], axis=-1)


def _projx(x, c):
    xs = x[..., 1:]
    x0 = jnp.sqrt(1.0 / c + jnp.sum(xs * xs, axis=-1, keepdims=True))
    return jnp.concatenate([x0, xs], axis=-1)


def _encoder_fwd(x, p, c):
    h = jax.nn.relu(_conv(x, p['ew1'], p['eb1'], 2))
    h = jax.nn.relu(_conv(h, p['ew2'], p['eb2'], 2))
    h = _conv(h, p['ew3'], p['eb3'], 1)
    for i in range(N_RES):
        r = jax.nn.relu(h)
        r = _conv(r, p['erw1_%d' % i], p['erb1_%d' % i], 1)
        r = jax.nn.relu(r)
        r = _conv(r, p['erw2_%d' % i], p['erb2_%d' % i], 1)
        h = h + r
    t = jnp.transpose(h, (0, 2, 3, 1))
    return _expmap0(t, c)


def _decoder_tail(h, p):
    h = _conv(h, p['dw0'], p['db0'], 1)
    for i in range(N_RES):
        r = jax.nn.relu(h)
        r = _conv(r, p['drw1_%d' % i], p['drb1_%d' % i], 1)
        r = jax.nn.relu(r)
        r = _conv(r, p['drw2_%d' % i], p['drb2_%d' % i], 1)
        h = h + r
    h = jax.nn.relu(h)
    h = jax.nn.relu(_convT(h, p['dct1'], p['dcb1']))
    return _convT(h, p['dct2'], p['dcb2'])



M_TILE = 896


def _vq_search_body(z_ref, e_ref, idx_ref):
    z = z_ref[...]
    z_s = z[:, 1:].astype(jnp.bfloat16)
    z0 = z[:, 0:1]
    e_s = e_ref[1:, :].astype(jnp.bfloat16)
    e0 = e_ref[0:1, :]
    inner = jnp.dot(z_s, e_s, preferred_element_type=jnp.float32) - z0 * e0
    idx_ref[0, 0, :] = jnp.argmax(inner, axis=1).astype(jnp.int32)


def _vq_search(zf, embT):
    n_tok = zf.shape[0]
    nt = n_tok // M_TILE
    idx = pl.pallas_call(
        _vq_search_body,
        grid=(nt,),
        in_specs=[
            pl.BlockSpec((M_TILE, zf.shape[1]), lambda i: (i, 0)),
            pl.BlockSpec((embT.shape[0], N_EMB), lambda i: (0, 0)),
        ],
        out_specs=pl.BlockSpec((1, 1, M_TILE), lambda i: (i, 0, 0)),
        out_shape=jax.ShapeDtypeStruct((nt, 1, M_TILE), jnp.int32),
    )(zf, embT)
    return idx.reshape(n_tok)



_NC, _NS = 2, 16
_NW = _NC * _NS
_CH = 104
_B_PER_W = 2 * _CH
_B_PAD = _NW * _B_PER_W
_TD = 128


def _sc_gather(table, idx_pad):
    @functools.partial(
        pl.kernel,
        mesh=plsc.VectorSubcoreMesh(core_axis_name="c", subcore_axis_name="s"),
        out_type=jax.ShapeDtypeStruct((_B_PAD, _TD), jnp.float32),
        scratch_types=[
            pltpu.VMEM((2, _CH), jnp.int32),
            pltpu.VMEM((_B_PER_W, _TD), jnp.float32),
            pltpu.SemaphoreType.DMA,
        ],
    )
    def k(table_hbm, idx_hbm, out_hbm, idx_v, rows_v, sem):
        wid = lax.axis_index("s") * _NC + lax.axis_index("c")
        pltpu.sync_copy(idx_hbm.at[pl.ds(wid * 2, 2)], idx_v)
        cps = [pltpu.async_copy(table_hbm.at[idx_v.at[j]],
                                rows_v.at[pl.ds(j * _CH, _CH)], sem)
               for j in range(2)]
        for cp in cps:
            cp.wait()
        pltpu.sync_copy(rows_v, out_hbm.at[pl.ds(wid * _B_PER_W, _B_PER_W)])

    return k(table, idx_pad)



def _tail_body(c_ref, zq_ref, zf_ref, cnt_ref, loss_ref, perp_ref, use_ref):
    c = c_ref[0, 0]
    zq = zq_ref[...]
    zf = zf_ref[...]
    inn = (-zq[:, 0] * zf[:, 0]
           + jnp.sum(zq[:, 1:] * zf[:, 1:], axis=-1))
    ac = jnp.maximum(-c * inn, 1.0 + 1e-7)
    d = jnp.log(ac + jnp.sqrt(ac * ac - 1.0)) / jnp.sqrt(c)
    loss_ref[0, 0] = (1.0 + BETA) * jnp.mean(d * d)
    cnt = cnt_ref[...]
    probs = cnt / jnp.float32(zq.shape[0])
    perp_ref[0, 0] = jnp.exp(-jnp.sum(probs * jnp.log(probs + 1e-10)))
    use_ref[0, 0] = jnp.mean((cnt > 0.0).astype(jnp.float32))


def _fused_tail(zq, zf, counts_f, c):
    n = zq.shape[0]
    loss, perp, use = pl.pallas_call(
        _tail_body,
        in_specs=[
            pl.BlockSpec(memory_space=pltpu.SMEM),
            pl.BlockSpec((n, zq.shape[1]), lambda: (0, 0)),
            pl.BlockSpec((n, zq.shape[1]), lambda: (0, 0)),
            pl.BlockSpec(counts_f.shape, lambda: (0, 0)),
        ],
        out_specs=[
            pl.BlockSpec(memory_space=pltpu.SMEM),
            pl.BlockSpec(memory_space=pltpu.SMEM),
            pl.BlockSpec(memory_space=pltpu.SMEM),
        ],
        out_shape=[
            jax.ShapeDtypeStruct((1, 1), jnp.float32),
            jax.ShapeDtypeStruct((1, 1), jnp.float32),
            jax.ShapeDtypeStruct((1, 1), jnp.float32),
        ],
    )(c.reshape(1, 1), zq, zf, counts_f)
    return loss[0, 0], perp[0, 0], use[0, 0]


def _quantize_decode(z, emb_tan, c, params):
    d = z.shape[-1]
    n_tok = z.shape[0] * z.shape[1] * z.shape[2]
    zf = z.reshape(-1, d)
    emb = _expmap0(emb_tan, c)
    zf, emb = lax.optimization_barrier((zf, emb))
    idx = _vq_search(zf, emb.T)

    table = jnp.concatenate(
        [emb, jnp.zeros((N_EMB, _TD - d), jnp.float32)], axis=1)
    idx_pad = jnp.concatenate(
        [idx, jnp.zeros((_B_PAD - n_tok,), jnp.int32)]).reshape(_NW * 2, _CH)
    rows = _sc_gather(table, idx_pad)
    zq = rows[:n_tok, :d]

    counts_f = jnp.bincount(idx, length=N_EMB).astype(jnp.float32)
    loss, perplexity, usage = _fused_tail(
        zq, zf, counts_f.reshape(64, N_EMB // 64), c)

    z_q = _projx(zq.reshape(z.shape), c)
    t = _logmap0(z_q, c)[..., 1:]
    h = jnp.transpose(t, (0, 3, 1, 2))
    x_hat = _decoder_tail(h, params)
    return loss, x_hat, perplexity, jnp.asarray(0.0, jnp.float32), usage


def kernel(x, params):
    c = 0.1 + 9.9 * jax.nn.sigmoid(params['curv_raw'])
    z_e = _projx(_encoder_fwd(x, params, c), c)
    loss, x_hat, perp, div, usage = _quantize_decode(
        z_e, params['codebook'], c, params)
    return loss, x_hat, perp, div, z_e, usage

# --- scband reference (transcript-rebuilt; emitter-appended) ---
"""Pipeline reference for scband-vqvae-hyp-62801011802570 (READ-ONLY COPY).

The authoritative reference and input builder live on the scoring server;
editing this copy changes nothing except your own understanding.
"""

import jax, jax.numpy as jnp
import numpy as np

H_DIM = 64
N_RES = 2
N_EMB = 8192
BETA = 0.25
B, HW = 2, 224

def _k(i):
    return jax.random.fold_in(jax.random.key(0), i)

def conv(x, w, b, stride):
    y = jax.lax.conv_general_dilated(x, w, (stride, stride), 'SAME', dimension_numbers=('NCHW', 'OIHW', 'NCHW'))
    return y + b[None, :, None, None]

def convT(x, w, b):
    y = jax.lax.conv_transpose(x, w, (2, 2), 'SAME', dimension_numbers=('NCHW', 'OIHW', 'NCHW'))
    return y + b[None, :, None, None]

def expmap0(u, c):
    sc = jnp.sqrt(c)
    r = jnp.sqrt(jnp.sum(u * u, axis=-1, keepdims=True))
    r = jnp.maximum(r, 1e-8)
    phi = sc * r
    x0 = jnp.cosh(phi) / sc
    xs = jnp.sinh(phi) * u / (sc * r)
    return jnp.concatenate([x0, xs], axis=-1)

def logmap0(x, c):
    sc = jnp.sqrt(c)
    x0 = x[..., :1]
    xs = x[..., 1:]
    theta = jnp.arccosh(jnp.maximum(sc * x0, 1.0 + 1e-7))
    u = xs * theta / jnp.maximum(jnp.sinh(theta), 1e-8)
    return jnp.concatenate([jnp.zeros_like(x0), u], axis=-1)

def projx(x, c):
    xs = x[..., 1:]
    x0 = jnp.sqrt(1.0 / c + jnp.sum(xs * xs, axis=-1, keepdims=True))
    return jnp.concatenate([x0, xs], axis=-1)

def encoder_fwd(x, p, c):
    h = jax.nn.relu(conv(x, p['ew1'], p['eb1'], 2))
    h = jax.nn.relu(conv(h, p['ew2'], p['eb2'], 2))
    h = conv(h, p['ew3'], p['eb3'], 1)
    for i in range(N_RES):
        r = jax.nn.relu(h)
        r = conv(r, p['erw1_%d' % i], p['erb1_%d' % i], 1)
        r = jax.nn.relu(r)
        r = conv(r, p['erw2_%d' % i], p['erb2_%d' % i], 1)
        h = h + r
    t = jnp.transpose(h, (0, 2, 3, 1))
    return expmap0(t, c)

def decoder_fwd(zq, p, c):
    t = logmap0(zq, c)[..., 1:]
    h = jnp.transpose(t, (0, 3, 1, 2))
    h = conv(h, p['dw0'], p['db0'], 1)
    for i in range(N_RES):
        r = jax.nn.relu(h)
        r = conv(r, p['drw1_%d' % i], p['drb1_%d' % i], 1)
        r = jax.nn.relu(r)
        r = conv(r, p['drw2_%d' % i], p['drb2_%d' % i], 1)
        h = h + r
    h = jax.nn.relu(h)
    h = jax.nn.relu(convT(h, p['dct1'], p['dcb1']))
    return convT(h, p['dct2'], p['dcb2'])

def quantize(z, emb_tan, c):
    sg = jax.lax.stop_gradient
    D = z.shape[-1]
    zf = z.reshape(-1, D)
    emb = expmap0(emb_tan, c)
    inner = zf[:, 1:] @ emb[:, 1:].T - zf[:, :1] * emb[:, :1].T
    dist = jnp.arccosh(jnp.maximum(-c * inner, 1.0 + 1e-7)) / jnp.sqrt(c)
    idx = jnp.argmin(dist, axis=1)
    zq = jnp.take(emb, idx, axis=0)
    def pdist(a, b):
        inn = -a[..., 0] * b[..., 0] + jnp.sum(a[..., 1:] * b[..., 1:], axis=-1)
        return jnp.arccosh(jnp.maximum(-c * inn, 1.0 + 1e-7)) / jnp.sqrt(c)
    loss = BETA * jnp.mean(pdist(sg(zq), zf) ** 2) + jnp.mean(pdist(zq, sg(zf)) ** 2)
    zq_st = zf + sg(zq - zf)
    counts = jnp.bincount(idx, length=N_EMB)
    probs = counts.astype(jnp.float32) / idx.shape[0]
    perplexity = jnp.exp(-jnp.sum(probs * jnp.log(probs + 1e-10)))
    usage = jnp.mean((counts > 0).astype(jnp.float32))
    return loss, zq_st.reshape(z.shape), perplexity, jnp.asarray(0.0, dtype=jnp.float32), usage

def forward(x, params):
    c = 0.1 + 9.9 * jax.nn.sigmoid(params['curv_raw'])
    z_e = projx(encoder_fwd(x, params, c), c)
    loss, z_q, perp, div, usage = quantize(z_e, params['codebook'], c)
    z_q = projx(z_q, c)
    x_hat = decoder_fwd(z_q, params, c)
    return loss, x_hat, perp, div, z_e, usage

def setup_inputs():
    x = jax.random.normal(_k(1), (B, 3, HW, HW), dtype=jnp.float32)
    def w(i, shape, s=0.05):
        return jax.random.normal(_k(i), shape, dtype=jnp.float32) * s
    p = {}
    p['ew1'] = w(10, (32, 3, 4, 4)); p['eb1'] = jnp.zeros((32,), jnp.float32)
    p['ew2'] = w(11, (64, 32, 4, 4)); p['eb2'] = jnp.zeros((64,), jnp.float32)
    p['ew3'] = w(12, (64, 64, 3, 3)); p['eb3'] = jnp.zeros((64,), jnp.float32)
    for i in range(N_RES):
        p['erw1_%d' % i] = w(20 + i, (64, 64, 3, 3)); p['erb1_%d' % i] = jnp.zeros((64,), jnp.float32)
        p['erw2_%d' % i] = w(30 + i, (64, 64, 1, 1)); p['erb2_%d' % i] = jnp.zeros((64,), jnp.float32)
    p['dw0'] = w(40, (64, 64, 3, 3)); p['db0'] = jnp.zeros((64,), jnp.float32)
    for i in range(N_RES):
        p['drw1_%d' % i] = w(50 + i, (64, 64, 3, 3)); p['drb1_%d' % i] = jnp.zeros((64,), jnp.float32)
        p['drw2_%d' % i] = w(60 + i, (64, 64, 1, 1)); p['drb2_%d' % i] = jnp.zeros((64,), jnp.float32)
    p['dct1'] = w(70, (32, 64, 4, 4)); p['dcb1'] = jnp.zeros((32,), jnp.float32)
    p['dct2'] = w(71, (3, 32, 4, 4)); p['dcb2'] = jnp.zeros((3,), jnp.float32)
    p['codebook'] = w(80, (N_EMB, H_DIM), 0.1)
    p['curv_raw'] = jnp.asarray(-2.302585, dtype=jnp.float32)
    return {'x': x, 'params': p}

def reference(x, params):
    return forward(x, params)

if __name__ == "__main__":
    import jax
    _d = setup_inputs()
    print(jax.jit(kernel)(*tuple(_d.values())))

</pallas_src>

<mosaic_0001>
#map = affine_map<(d0, d1) -> (0, 0)>
module attributes {stable_mosaic.version = 14 : i64} {
  func.func @k(%arg0: i32, %arg1: i32, %arg2: memref<8192x128xf32, #tpu.memory_space<hbm>>, %arg3: memref<64x104xi32, #tpu.memory_space<hbm>>, %arg4: memref<6656x128xf32, #tpu.memory_space<hbm>>, %arg5: memref<2x104xi32, #tpu.memory_space<vmem>>, %arg6: memref<208x128xf32, #tpu.memory_space<vmem>>, %arg7: memref<!tpu.dma_semaphore, #tpu.memory_space<semaphore_mem>>) attributes {dimension_semantics = [#tpu.dimension_semantics<core_parallel>, #tpu.dimension_semantics<subcore_parallel>], iteration_bounds = array<i64: 2, 16>, scalar_prefetch = 0 : i64, scratch_operands = 3 : i64, tpu.core_type = #tpu.core_type<sc_vector_subcore>, window_params = [{transform_indices = #map}, {transform_indices = #map}, {transform_indices = #map}]} {
    %mul3A = arith.constant 2 : i32
    %mul3A_0 = arith.muli %arg1, %mul3A : i32
    %add3A = arith.addi %mul3A_0, %arg0 : i32
    %mul3A_1 = arith.constant 2 : i32
    %mul3A_2 = arith.muli %add3A, %mul3A_1 : i32
    "tpu.region"() ({
      %run_scoped3A = tpu.sem_alloc : memref<!tpu.dma_semaphore, #tpu.memory_space<semaphore_mem>>
      %dma_start3A_43 = arith.constant 0 : i32
      %dma_start3A_44 = tpu.memref_slice %arg3[%mul3A_2, %dma_start3A_43] : memref<64x104xi32, #tpu.memory_space<hbm>> -> memref<2x104xi32, #tpu.memory_space<hbm>>
      %dma_start3A_45 = arith.constant 0 : i32
      %dma_start3A_46 = tpu.memref_slice %arg3[%mul3A_2, %dma_start3A_45] : memref<64x104xi32, #tpu.memory_space<hbm>> -> memref<2x104xi32, #tpu.memory_space<hbm>>
      tpu.enqueue_dma source(%dma_start3A_46 : memref<2x104xi32, #tpu.memory_space<hbm>>) target(%arg5 : memref<2x104xi32, #tpu.memory_space<vmem>>) target_semaphore(%run_scoped3A : memref<!tpu.dma_semaphore, #tpu.memory_space<semaphore_mem>>)
      %dma_wait3A_47 = arith.constant 0 : i32
      %dma_wait3A_48 = tpu.memref_slice %arg3[%mul3A_2, %dma_wait3A_47] : memref<64x104xi32, #tpu.memory_space<hbm>> -> memref<2x104xi32, #tpu.memory_space<hbm>>
      %dma_wait3A_49 = arith.constant 0 : i32
      %dma_wait3A_50 = tpu.memref_slice %arg3[%mul3A_2, %dma_wait3A_49] : memref<64x104xi32, #tpu.memory_space<hbm>> -> memref<2x104xi32, #tpu.memory_space<hbm>>
      tpu.wait_dma2 semaphore(%run_scoped3A : memref<!tpu.dma_semaphore, #tpu.memory_space<semaphore_mem>>) src(%dma_wait3A_50 : memref<2x104xi32, #tpu.memory_space<hbm>>) dst(%arg5 : memref<2x104xi32, #tpu.memory_space<vmem>>)
      tpu.yield
    }) : () -> ()
    %dma_start3A = arith.constant 0 : i32
    %dma_start3A_3 = arith.constant 0 : i32
    %dma_start3A_4 = arith.constant 0 : i32
    %dma_start3A_5 = tpu.memref_slice %arg6[%dma_start3A_3, %dma_start3A_4] : memref<208x128xf32, #tpu.memory_space<vmem>> -> memref<104x128xf32, #tpu.memory_space<vmem>>
    %dma_start3A_6 = arith.constant 0 : i32
    %dma_start3A_7 = tpu.memref_slice %arg5[%dma_start3A, %dma_start3A_6] : memref<2x104xi32, #tpu.memory_space<vmem>> -> memref<1x104xi32, #tpu.memory_space<vmem>>
    %dma_start3A_8 = tpu.memref_squeeze %dma_start3A_7 : memref<1x104xi32, #tpu.memory_space<vmem>> -> memref<104xi32, #tpu.memory_space<vmem>>
    %dma_start3A_9 = arith.constant 0 : i32
    %dma_start3A_10 = arith.constant 0 : i32
    %dma_start3A_11 = tpu.memref_slice %arg2[%dma_start3A_9, %dma_start3A_10] : memref<8192x128xf32, #tpu.memory_space<hbm>> -> memref<8192x128xf32, #tpu.memory_space<hbm>>
    tpu.enqueue_indirect_dma source(%dma_start3A_11 : memref<8192x128xf32, #tpu.memory_space<hbm>>) target(%dma_start3A_5 : memref<104x128xf32, #tpu.memory_space<vmem>>) offsets(%dma_start3A_8 : memref<104xi32, #tpu.memory_space<vmem>>) semaphore(%arg7 : memref<!tpu.dma_semaphore, #tpu.memory_space<semaphore_mem>>)
    %dma_start3A_12 = arith.constant 1 : i32
    %dma_start3A_13 = arith.constant 104 : i32
    %dma_start3A_14 = arith.constant 0 : i32
    %dma_start3A_15 = tpu.memref_slice %arg6[%dma_start3A_13, %dma_start3A_14] : memref<208x128xf32, #tpu.memory_space<vmem>> -> memref<104x128xf32, #tpu.memory_space<vmem>>
    %dma_start3A_16 = arith.constant 0 : i32
    %dma_start3A_17 = tpu.memref_slice %arg5[%dma_start3A_12, %dma_start3A_16] : memref<2x104xi32, #tpu.memory_space<vmem>> -> memref<1x104xi32, #tpu.memory_space<vmem>>
    %dma_start3A_18 = tpu.memref_squeeze %dma_start3A_17 : memref<1x104xi32, #tpu.memory_space<vmem>> -> memref<104xi32, #tpu.memory_space<vmem>>
    %dma_start3A_19 = arith.constant 0 : i32
    %dma_start3A_20 = arith.constant 0 : i32
    %dma_start3A_21 = tpu.memref_slice %arg2[%dma_start3A_19, %dma_start3A_20] : memref<8192x128xf32, #tpu.memory_space<hbm>> -> memref<8192x128xf32, #tpu.memory_space<hbm>>
    tpu.enqueue_indirect_dma source(%dma_start3A_21 : memref<8192x128xf32, #tpu.memory_space<hbm>>) target(%dma_start3A_15 : memref<104x128xf32, #tpu.memory_space<vmem>>) offsets(%dma_start3A_18 : memref<104xi32, #tpu.memory_space<vmem>>) semaphore(%arg7 : memref<!tpu.dma_semaphore, #tpu.memory_space<semaphore_mem>>)
    %dma_wait3A = arith.constant 0 : i32
    %dma_wait3A_22 = arith.constant 0 : i32
    %dma_wait3A_23 = arith.constant 0 : i32
    %dma_wait3A_24 = tpu.memref_slice %arg6[%dma_wait3A_22, %dma_wait3A_23] : memref<208x128xf32, #tpu.memory_space<vmem>> -> memref<104x128xf32, #tpu.memory_space<vmem>>
    %dma_wait3A_25 = arith.constant 0 : i32
    %dma_wait3A_26 = tpu.memref_slice %arg5[%dma_wait3A, %dma_wait3A_25] : memref<2x104xi32, #tpu.memory_space<vmem>> -> memref<1x104xi32, #tpu.memory_space<vmem>>
    %dma_wait3A_27 = tpu.memref_squeeze %dma_wait3A_26 : memref<1x104xi32, #tpu.memory_space<vmem>> -> memref<104xi32, #tpu.memory_space<vmem>>
    %dma_wait3A_28 = arith.constant 0 : i32
    %dma_wait3A_29 = arith.constant 0 : i32
    %dma_wait3A_30 = tpu.memref_slice %arg2[%dma_wait3A_28, %dma_wait3A_29] : memref<8192x128xf32, #tpu.memory_space<hbm>> -> memref<8192x128xf32, #tpu.memory_space<hbm>>
    tpu.wait_indirect_dma semaphore(%arg7 : memref<!tpu.dma_semaphore, #tpu.memory_space<semaphore_mem>>) src(%dma_wait3A_30 : memref<8192x128xf32, #tpu.memory_space<hbm>>) dst(%dma_wait3A_24 : memref<104x128xf32, #tpu.memory_space<vmem>>)
    %dma_wait3A_31 = arith.constant 1 : i32
    %dma_wait3A_32 = arith.constant 104 : i32
    %dma_wait3A_33 = arith.constant 0 : i32
    %dma_wait3A_34 = tpu.memref_slice %arg6[%dma_wait3A_32, %dma_wait3A_33] : memref<208x128xf32, #tpu.memory_space<vmem>> -> memref<104x128xf32, #tpu.memory_space<vmem>>
    %dma_wait3A_35 = arith.constant 0 : i32
    %dma_wait3A_36 = tpu.memref_slice %arg5[%dma_wait3A_31, %dma_wait3A_35] : memref<2x104xi32, #tpu.memory_space<vmem>> -> memref<1x104xi32, #tpu.memory_space<vmem>>
    %dma_wait3A_37 = tpu.memref_squeeze %dma_wait3A_36 : memref<1x104xi32, #tpu.memory_space<vmem>> -> memref<104xi32, #tpu.memory_space<vmem>>
    %dma_wait3A_38 = arith.constant 0 : i32
    %dma_wait3A_39 = arith.constant 0 : i32
    %dma_wait3A_40 = tpu.memref_slice %arg2[%dma_wait3A_38, %dma_wait3A_39] : memref<8192x128xf32, #tpu.memory_space<hbm>> -> memref<8192x128xf32, #tpu.memory_space<hbm>>
    tpu.wait_indirect_dma semaphore(%arg7 : memref<!tpu.dma_semaphore, #tpu.memory_space<semaphore_mem>>) src(%dma_wait3A_40 : memref<8192x128xf32, #tpu.memory_space<hbm>>) dst(%dma_wait3A_34 : memref<104x128xf32, #tpu.memory_space<vmem>>)
    %mul3A_41 = arith.constant 208 : i32
    %mul3A_42 = arith.muli %add3A, %mul3A_41 : i32
    "tpu.region"() ({
      %run_scoped3A = tpu.sem_alloc : memref<!tpu.dma_semaphore, #tpu.memory_space<semaphore_mem>>
      %dma_start3A_43 = arith.constant 0 : i32
      %dma_start3A_44 = tpu.memref_slice %arg4[%mul3A_42, %dma_start3A_43] : memref<6656x128xf32, #tpu.memory_space<hbm>> -> memref<208x128xf32, #tpu.memory_space<hbm>>
      %dma_start3A_45 = arith.constant 0 : i32
      %dma_start3A_46 = tpu.memref_slice %arg4[%mul3A_42, %dma_start3A_45] : memref<6656x128xf32, #tpu.memory_space<hbm>> -> memref<208x128xf32, #tpu.memory_space<hbm>>
      tpu.enqueue_dma source(%arg6 : memref<208x128xf32, #tpu.memory_space<vmem>>) target(%dma_start3A_46 : memref<208x128xf32, #tpu.memory_space<hbm>>) target_semaphore(%run_scoped3A : memref<!tpu.dma_semaphore, #tpu.memory_space<semaphore_mem>>)
      %dma_wait3A_47 = arith.constant 0 : i32
      %dma_wait3A_48 = tpu.memref_slice %arg4[%mul3A_42, %dma_wait3A_47] : memref<6656x128xf32, #tpu.memory_space<hbm>> -> memref<208x128xf32, #tpu.memory_space<hbm>>
      %dma_wait3A_49 = arith.constant 0 : i32
      %dma_wait3A_50 = tpu.memref_slice %arg4[%mul3A_42, %dma_wait3A_49] : memref<6656x128xf32, #tpu.memory_space<hbm>> -> memref<208x128xf32, #tpu.memory_space<hbm>>
      tpu.wait_dma2 semaphore(%run_scoped3A : memref<!tpu.dma_semaphore, #tpu.memory_space<semaphore_mem>>) src(%arg6 : memref<208x128xf32, #tpu.memory_space<vmem>>) dst(%dma_wait3A_50 : memref<208x128xf32, #tpu.memory_space<hbm>>)
      tpu.yield
    }) : () -> ()
    return
  }
}

module attributes {stable_mosaic.version = 14 : i64} {
  func.func @_vq_search_body(%arg0: i32, %arg1: memref<896x65xf32, #tpu.memory_space<vmem>>, %arg2: memref<65x8192xf32, #tpu.memory_space<vmem>>, %arg3: memref<1x1x896xi32, #tpu.memory_space<vmem>>) attributes {dimension_semantics = [#tpu.dimension_semantics<arbitrary>], iteration_bounds = array<i64: 7>, scalar_prefetch = 0 : i64, scratch_operands = 0 : i64, tpu.core_type = #tpu.core_type<tc>, window_params = [{transform_indices = @transform_0, window_bounds = array<i64: 896, 65>}, {pipeline_mode = #tpu.pipeline_mode<synchronous>, transform_indices = @transform_1, window_bounds = array<i64: 65, 8192>}, {transform_indices = @transform_2, window_bounds = array<i64: 1, 1, 896>}]} {
    %get3A = arith.constant 0 : index
    %get3A_0 = arith.constant 0 : index
    %get3A_1 = vector.load %arg1[%get3A, %get3A_0] : memref<896x65xf32, #tpu.memory_space<vmem>>, vector<896x65xf32>
    %slice3A = vector.extract_strided_slice %get3A_1 {offsets = [0, 1], sizes = [896, 64], strides = [1, 1]} : vector<896x65xf32> to vector<896x64xf32>
    %convert_element_type3A = arith.truncf %slice3A : vector<896x64xf32> to vector<896x64xbf16>
    %slice3A_2 = vector.extract_strided_slice %get3A_1 {offsets = [0, 0], sizes = [896, 1], strides = [1, 1]} : vector<896x65xf32> to vector<896x1xf32>
    %get3A_3 = arith.constant 1 : index
    %get3A_4 = arith.constant 0 : index
    %get3A_5 = vector.load %arg2[%get3A_3, %get3A_4] : memref<65x8192xf32, #tpu.memory_space<vmem>>, vector<64x8192xf32>
    %convert_element_type3A_6 = arith.truncf %get3A_5 : vector<64x8192xf32> to vector<64x8192xbf16>
    %get3A_7 = arith.constant 0 : index
    %get3A_8 = arith.constant 0 : index
    %get3A_9 = vector.load %arg2[%get3A_7, %get3A_8] : memref<65x8192xf32, #tpu.memory_space<vmem>>, vector<1x8192xf32>
    %dot_general3A = arith.constant dense<0.000000e+00> : vector<896x8192xf32>
    %dot_general3A_10 = tpu.matmul %convert_element_type3A, %convert_element_type3A_6, %dot_general3A {dimension_numbers = #tpu.dot_dimension_numbers<[1], [0], [0], [1], [0, 0, 1, 1], [], []>, transpose_lhs_hint = false} : vector<896x64xbf16>, vector<64x8192xbf16>, vector<896x8192xf32> -> vector<896x8192xf32>
    %mul3A = vector.broadcast %slice3A_2 : vector<896x1xf32> to vector<896x8192xf32>
    %mul3A_11 = vector.broadcast %get3A_9 : vector<1x8192xf32> to vector<896x8192xf32>
    %mul3A_12 = arith.mulf %mul3A, %mul3A_11 : vector<896x8192xf32>
    %sub3A = arith.subf %dot_general3A_10, %mul3A_12 : vector<896x8192xf32>
    %argmax3A = tpu.reduce_index %sub3A {axis = 1 : i32, kind = #tpu.reduction_kind<arg_max>} : vector<896x8192xf32> -> vector<896xi32>
    %swap3A = arith.constant 0 : index
    %swap3A_13 = arith.constant 0 : index
    %swap3A_14 = arith.constant 0 : index
    %swap3A_15 = vector.load %arg3[%swap3A, %swap3A_13, %swap3A_14] : memref<1x1x896xi32, #tpu.memory_space<vmem>>, vector<1x1x896xi32>
    %swap3A_16 = vector.shape_cast %swap3A_15 : vector<1x1x896xi32> to vector<896xi32>
    %swap3A_17 = vector.shape_cast %argmax3A : vector<896xi32> to vector<1x1x896xi32>
    tpu.vector_store %arg3[%swap3A, %swap3A_13, %swap3A_14], %swap3A_17 {strides = array<i32>} : memref<1x1x896xi32, #tpu.memory_space<vmem>>, vector<1x1x896xi32>,
    return
  }
  func.func @transform_0(%arg0: i32) -> (i32, i32) {
    %c0_i32 = arith.constant 0 : i32
    %c0_i32_0 = arith.constant 0 : i32
    return %arg0, %c0_i32 : i32, i32
  }
  func.func @transform_1(%arg0: i32) -> (i32, i32) {
    %c0_i32 = arith.constant 0 : i32
    %c0_i32_0 = arith.constant 0 : i32
    %c0_i32_1 = arith.constant 0 : i32
    return %c0_i32, %c0_i32_0 : i32, i32
  }
  func.func @transform_2(%arg0: i32) -> (i32, i32, i32) {
    %c0_i32 = arith.constant 0 : i32
    %c0_i32_0 = arith.constant 0 : i32
    %c0_i32_1 = arith.constant 0 : i32
    return %arg0, %c0_i32, %c0_i32_0 : i32, i32, i32
  }
}

module attributes {stable_mosaic.version = 14 : i64} {
  func.func @_tail_body(%arg0: memref<1x1xf32, #tpu.memory_space<smem>>, %arg1: memref<6272x65xf32, #tpu.memory_space<vmem>>, %arg2: memref<6272x65xf32, #tpu.memory_space<vmem>>, %arg3: memref<64x128xf32, #tpu.memory_space<vmem>>, %arg4: memref<1x1xf32, #tpu.memory_space<smem>>, %arg5: memref<1x1xf32, #tpu.memory_space<smem>>, %arg6: memref<1x1xf32, #tpu.memory_space<smem>>) attributes {dimension_semantics = [], scalar_prefetch = 0 : i64, scratch_operands = 0 : i64, tpu.core_type = #tpu.core_type<tc>} {
    %get3A = arith.constant 0 : index
    %get3A_0 = arith.constant 0 : index
    %get3A_1 = memref.load %arg0[%get3A, %get3A_0] : memref<1x1xf32, #tpu.memory_space<smem>>
    %get3A_2 = arith.constant 0 : index
    %get3A_3 = arith.constant 0 : index
    %get3A_4 = vector.load %arg1[%get3A_2, %get3A_3] : memref<6272x65xf32, #tpu.memory_space<vmem>>, vector<6272x65xf32>
    %get3A_5 = arith.constant 0 : index
    %get3A_6 = arith.constant 0 : index
    %get3A_7 = vector.load %arg2[%get3A_5, %get3A_6] : memref<6272x65xf32, #tpu.memory_space<vmem>>, vector<6272x65xf32>
    %slice3A = vector.extract_strided_slice %get3A_4 {offsets = [0, 0], sizes = [6272, 1], strides = [1, 1]} : vector<6272x65xf32> to vector<6272x1xf32>
    %squeeze3A = vector.shape_cast %slice3A : vector<6272x1xf32> to vector<6272xf32>
    %neg3A = arith.constant 0.000000e+00 : f32
    %neg3A_8 = vector.broadcast %neg3A : f32 to vector<6272xf32>
    %neg3A_9 = arith.subf %neg3A_8, %squeeze3A : vector<6272xf32>
    %slice3A_10 = vector.extract_strided_slice %get3A_7 {offsets = [0, 0], sizes = [6272, 1], strides = [1, 1]} : vector<6272x65xf32> to vector<6272x1xf32>
    %squeeze3A_11 = vector.shape_cast %slice3A_10 : vector<6272x1xf32> to vector<6272xf32>
    %mul3A = arith.mulf %neg3A_9, %squeeze3A_11 : vector<6272xf32>
    %slice3A_12 = vector.extract_strided_slice %get3A_4 {offsets = [0, 1], sizes = [6272, 64], strides = [1, 1]} : vector<6272x65xf32> to vector<6272x64xf32>
    %slice3A_13 = vector.extract_strided_slice %get3A_7 {offsets = [0, 1], sizes = [6272, 64], strides = [1, 1]} : vector<6272x65xf32> to vector<6272x64xf32>
    %mul3A_14 = arith.mulf %slice3A_12, %slice3A_13 : vector<6272x64xf32>
    %reduce_sum3A = arith.constant dense<0.000000e+00> : vector<6272xf32>
    %reduce_sum3A_15 = vector.multi_reduction <add>, %mul3A_14, %reduce_sum3A [1] : vector<6272x64xf32> to vector<6272xf32>
    %add3A = arith.addf %mul3A, %reduce_sum3A_15 : vector<6272xf32>
    %neg3A_16 = arith.constant 0.000000e+00 : f32
    %neg3A_17 = arith.subf %neg3A_16, %get3A_1 : f32
    %mul3A_18 = vector.broadcast %neg3A_17 : f32 to vector<6272xf32>
    %mul3A_19 = arith.mulf %mul3A_18, %add3A : vector<6272xf32>
    %max3A = arith.constant 1.00000012 : f32
    %max3A_20 = vector.broadcast %max3A : f32 to vector<6272xf32>
    %max3A_21 = arith.maximumf %mul3A_19, %max3A_20 : vector<6272xf32>
    %mul3A_22 = arith.mulf %max3A_21, %max3A_21 : vector<6272xf32>
    %sub3A = arith.constant 1.000000e+00 : f32
    %sub3A_23 = vector.broadcast %sub3A : f32 to vector<6272xf32>
    %sub3A_24 = arith.subf %mul3A_22, %sub3A_23 : vector<6272xf32>
    %sqrt3A = math.sqrt %sub3A_24 : vector<6272xf32>
    %add3A_25 = arith.addf %max3A_21, %sqrt3A : vector<6272xf32>
    %log3A = math.log %add3A_25 : vector<6272xf32>
    %sqrt3A_26 = math.sqrt %get3A_1 : f32
    %div3A = vector.broadcast %sqrt3A_26 : f32 to vector<6272xf32>
    %div3A_27 = arith.divf %log3A, %div3A : vector<6272xf32>
    %mul3A_28 = arith.mulf %div3A_27, %div3A_27 : vector<6272xf32>
    %reduce_sum3A_29 = vector.shape_cast %mul3A_28 : vector<6272xf32> to vector<1x6272xf32>
    %reduce_sum3A_30 = arith.constant dense<0.000000e+00> : vector<1xf32>
    %reduce_sum3A_31 = vector.multi_reduction <add>, %reduce_sum3A_29, %reduce_sum3A_30 [1] : vector<1x6272xf32> to vector<1xf32>
    %reduce_sum3A_32 = vector.shape_cast %reduce_sum3A_31 : vector<1xf32> to vector<1x1xf32>
    %reduce_sum3A_33 = vector.extract %reduce_sum3A_32[0, 0] : f32 from vector<1x1xf32>
    %div3A_34 = arith.constant 6.272000e+03 : f32
    %div3A_35 = arith.divf %reduce_sum3A_33, %div3A_34 : f32
    %mul3A_36 = arith.constant 1.250000e+00 : f32
    %mul3A_37 = arith.mulf %mul3A_36, %div3A_35 : f32
    %swap3A = arith.constant 0 : index
    %swap3A_38 = arith.constant 0 : index
    %swap3A_39 = memref.load %arg4[%swap3A, %swap3A_38] : memref<1x1xf32, #tpu.memory_space<smem>>
    memref.store %mul3A_37, %arg4[%swap3A, %swap3A_38] : memref<1x1xf32, #tpu.memory_space<smem>>
    %get3A_40 = arith.constant 0 : index
    %get3A_41 = arith.constant 0 : index
    %get3A_42 = vector.load %arg3[%get3A_40, %get3A_41] : memref<64x128xf32, #tpu.memory_space<vmem>>, vector<64x128xf32>
    %div3A_43 = arith.constant 6.272000e+03 : f32
    %div3A_44 = vector.broadcast %div3A_43 : f32 to vector<64x128xf32>
    %div3A_45 = arith.divf %get3A_42, %div3A_44 : vector<64x128xf32>
    %add3A_46 = arith.constant 1.000000e-10 : f32
    %add3A_47 = vector.broadcast %add3A_46 : f32 to vector<64x128xf32>
    %add3A_48 = arith.addf %div3A_45, %add3A_47 : vector<64x128xf32>
    %log3A_49 = math.log %add3A_48 : vector<64x128xf32>
    %mul3A_50 = arith.mulf %div3A_45, %log3A_49 : vector<64x128xf32>
    %reduce_sum3A_51 = vector.shape_cast %mul3A_50 : vector<64x128xf32> to vector<1x64x128xf32>
    %reduce_sum3A_52 = arith.constant dense<0.000000e+00> : vector<1xf32>
    %reduce_sum3A_53 = vector.multi_reduction <add>, %reduce_sum3A_51, %reduce_sum3A_52 [1, 2] : vector<1x64x128xf32> to vector<1xf32>
    %reduce_sum3A_54 = vector.shape_cast %reduce_sum3A_53 : vector<1xf32> to vector<1x1x1xf32>
    %reduce_sum3A_55 = vector.extract %reduce_sum3A_54[0, 0, 0] : f32 from vector<1x1x1xf32>
    %neg3A_56 = arith.constant 0.000000e+00 : f32
    %neg3A_57 = arith.subf %neg3A_56, %reduce_sum3A_55 : f32
    %exp3A = math.exp %neg3A_57 : f32
    %swap3A_58 = arith.constant 0 : index
    %swap3A_59 = arith.constant 0 : index
    %swap3A_60 = memref.load %arg5[%swap3A_58, %swap3A_59] : memref<1x1xf32, #tpu.memory_space<smem>>
    memref.store %exp3A, %arg5[%swap3A_58, %swap3A_59] : memref<1x1xf32, #tpu.memory_space<smem>>
    %gt3A = arith.constant 0.000000e+00 : f32
    %gt3A_61 = vector.broadcast %gt3A : f32 to vector<64x128xf32>
    %gt3A_62 = arith.cmpf ogt, %get3A_42, %gt3A_61 : vector<64x128xf32>
    %convert_element_type3A = arith.extui %gt3A_62 : vector<64x128xi1> to vector<64x128xi32>
    %convert_element_type3A_63 = arith.sitofp %convert_element_type3A : vector<64x128xi32> to vector<64x128xf32>
    %reduce_sum3A_64 = vector.shape_cast %convert_element_type3A_63 : vector<64x128xf32> to vector<1x64x128xf32>
    %reduce_sum3A_65 = arith.constant dense<0.000000e+00> : vector<1xf32>
    %reduce_sum3A_66 = vector.multi_reduction <add>, %reduce_sum3A_64, %reduce_sum3A_65 [1, 2] : vector<1x64x128xf32> to vector<1xf32>
    %reduce_sum3A_67 = vector.shape_cast %reduce_sum3A_66 : vector<1xf32> to vector<1x1x1xf32>
    %reduce_sum3A_68 = vector.extract %reduce_sum3A_67[0, 0, 0] : f32 from vector<1x1x1xf32>
    %div3A_69 = arith.constant 8.192000e+03 : f32
    %div3A_70 = arith.divf %reduce_sum3A_68, %div3A_69 : f32
    %swap3A_71 = arith.constant 0 : index
    %swap3A_72 = arith.constant 0 : index
    %swap3A_73 = memref.load %arg6[%swap3A_71, %swap3A_72] : memref<1x1xf32, #tpu.memory_space<smem>>
    memref.store %div3A_70, %arg6[%swap3A_71, %swap3A_72] : memref<1x1xf32, #tpu.memory_space<smem>>
    return
  }
}

</mosaic_0001>

<sc_bundles>
// kernel: kernel.5.cloned.1.call-start
scs
__scs_entry_jumppad:
0x0: {  	(pc) =	sbr.rel $0x88, $3  }
0x1: {  	(tag) =	ssettag $0x0;
	lr =	simm.s32 $0x1  }
0x2: {  	[smem:$0x3F82] =	sst lr;
	_ =	strace $0xD0000000  }
0x3: {  	_ = 	snop  }
0x4: {  	_ = 	snop  }
0x5: {  	_ = 	snop  }
0x6: {  	_ = 	snop  }
0x7: {  	_ = 	snop  }
__scs_overlays_trampoline_lowered:
0x8: {  	[smem:$0x3F91] =	sst s0  }
0x9: {  	[smem:$0x3F92] =	sst s1  }
0xa: {  	[smem:$0x3F93] =	sst s2  }
0xb: {  	[smem:$0x3F94] =	sst s3  }
0xc: {  	[smem:$0x3F95] =	sst s4  }
0xd: {  	[smem:$0x3F96] =	sst s5  }
0xe: {  	[smem:$0x3F97] =	sst s6  }
0xf: {  	[smem:$0x3F98] =	sst s7  }
0x10: {  	[smem:$0x3F99] =	sst s8  }
0x11: {  	[smem:$0x3F9A] =	sst s9;
	s0 =	simm.s32 @!p0 $0x0  }
0x12: {  	s1 =	sld [smem:$0x3F80];
	s0 =	simm.s32 @p0 $0x1  }
0x13: {  	[smem:$0x3F9B] =	sst s0;
	s0 =	simm.s32 @!p1 $0x0  }
0x14: {  	s2 =	sld [smem:$0x3F7F];
	s0 =	simm.s32 @p1 $0x1  }
0x15: {  	[smem:$0x3F9C] =	sst s0;
	s0 =	simm.s32 @!p2 $0x0  }
0x16: {  	s3 =	sld [smem:$0x3FDB];
	s0 =	simm.s32 @p2 $0x1  }
0x17: {  	s4 =	simm.s32 $0x1BF5;
	[smem:$0x3F9E] =	sst s0  }
0x18: {  	s0 =	sld [smem:$0x3F81];
	_ =	swait.ge [sflag:s4], $0x0  }
0x19: {  	s7 =	sld [smem:$0x3F82]  }
0x1a: {  	s8 =	sadd.s32 $0xFFFFE003, lr  }
0x1b: {  	s9 =	sadd.s32 $0xFFFFFEF7, lr;
	s5 =	simm.s32 $0xFFFFFFFF;
	p2 =	slt.u32 s8, $0xFFFFF086  }
0x1c: {  	p1 =	slt.u32 s9, $0xF7A;
	s5 =	simm.s32 @!p2 $0x0  }
0x1d: {  	s5 =	simm.s32 @p1 $0x1;
	p0 =	seq.s32 s7, s2  }
0x1e: {  	s7 =	smul.u32 @!p0 $0xF7A, s2;
	p2 =	seq.s32 @!p0 s5, $0x0  }
0x1f: {  	s9 =	smul.u32 $0xF7A, s1;
	s8 =	simm.s32 @!p0 $0x1BF5;
	p2 =	por !p2, p0  }
0x20: {  	[sflag:s8] =	ssyncset.s32 @!p0 $0xFFFFF086;
	s6 =	sadd.s32 @!p0 s3, s7;
	s7 =	simm.s32 @!p0 $0x108  }
0x21: {  	s3 =	sadd.s32 s3, s9;
	s6 =	sadd.s32 @!p0 $0x88, s6;
	s7 =	simm.s32 @p2 $0x1082  }
0x22: {  	[simem:s7], [sflag:s8] =	dma.local @!p0 [hbm:s6], $0xF7A  }
0x23: {  	s9 =	sor.u32 $0xD0000000, s2;
	s6 =	simm.s32 $0x108;
	_ =	swait.ge @!p0 [sflag:s8], $0x0  }
0x24: {  	s3 =	sadd.s32 $0x88, s3;
	s6 =	simm.s32 @!p1 $0x1082;
	[sflag:s4] =	ssyncset.s32 $0xFFFFF086  }
0x25: {  	[simem:s6], [sflag:s4] =	dma.local [hbm:s3], $0xF7A  }
0x26: {  	[smem:$0x3F82] =	sst s1;
	(tag) =	ssettag s2;
	_ =	strace s9  }
0x27: {  	s1 =	sld [smem:$0x3F92]  }
0x28: {  	s2 =	sld [smem:$0x3F93]  }
0x29: {  	s4 =	sld [smem:$0x3F95]  }
0x2a: {  	p0 =	seq.s32 s5, $0x0;
	s5 =	sld [smem:$0x3F96]  }
0x2b: {  	s6 =	sld [smem:$0x3F97]  }
0x2c: {  	s7 =	sld [smem:$0x3F98]  }
0x2d: {  	s3 =	simm.s32 $0x108;
	s8 =	sld [smem:$0x3F99]  }
0x2e: {  	s3 =	simm.s32 @!p0 $0x1082;
	s9 =	sld [smem:$0x3F9A]  }
0x2f: {  	lr =	sadd.s32 s0, s3;
	s0 =	sld [smem:$0x3F91]  }
0x30: {  	s3 =	sld [smem:$0x3F94]  }
0x31: {  	[smem:$0x3F9D] =	sst s10  }
0x32: {  	s10 =	sld [smem:$0x3F9B];
	_ =	sdelay $0x3  }
0x33: {  	p0 =	seq.s32 s10, $0x1;
	s10 =	sld [smem:$0x3F9D];
	_ =	sdelay $0x3  }
0x34: {  	[smem:$0x3F9D] =	sst s10  }
0x35: {  	s10 =	sld [smem:$0x3F9C];
	_ =	sdelay $0x3  }
0x36: {  	p1 =	seq.s32 s10, $0x1;
	s10 =	sld [smem:$0x3F9D];
	_ =	sdelay $0x3  }
0x37: {  	[smem:$0x3F9D] =	sst s10  }
0x38: {  	s10 =	sld [smem:$0x3F9E]  }
0x39: {  	_ = 	snop;
	(pc) =	sbr.ind lr, $3  }
0x3a: {  	_ = 	snop  }
0x3b: {  	_ = 	snop  }
0x3c: {  	p2 =	seq.s32 s10, $0x1;
	s10 =	sld [smem:$0x3F9D]  }
0x3d: {  	_ =	shalt  }
0x3e: {  	_ =	shalt  }
0x3f: {  	_ =	shalt  }
0x40: {  	_ =	shalt  }
0x41: {  	_ =	shalt  }
0x42: {  	_ =	shalt  }
0x43: {  	_ =	shalt  }
0x44: {  	_ =	shalt  }
0x45: {  	_ =	shalt  }
0x46: {  	_ =	shalt  }
0x47: {  	_ =	shalt  }
0x48: {  	_ =	shalt  }
0x49: {  	_ =	shalt  }
0x4a: {  	_ =	shalt  }
0x4b: {  	_ =	shalt  }
0x4c: {  	_ =	shalt  }
0x4d: {  	_ =	shalt  }
0x4e: {  	_ =	shalt  }
0x4f: {  	_ =	shalt  }
0x50: {  	_ =	shalt  }
0x51: {  	_ =	shalt  }
0x52: {  	_ =	shalt  }
0x53: {  	_ =	shalt  }
0x54: {  	_ =	shalt  }
0x55: {  	_ =	shalt  }
0x56: {  	_ =	shalt  }
0x57: {  	_ =	shalt  }
0x58: {  	_ =	shalt  }
0x59: {  	_ =	shalt  }
0x5a: {  	_ =	shalt  }
0x5b: {  	_ =	shalt  }
0x5c: {  	_ =	shalt  }
0x5d: {  	_ =	shalt  }
0x5e: {  	_ =	shalt  }
0x5f: {  	_ =	shalt  }
0x60: {  	_ =	shalt  }
0x61: {  	_ =	shalt  }
0x62: {  	_ =	shalt  }
0x63: {  	_ =	shalt  }
0x64: {  	_ =	shalt  }
0x65: {  	_ =	shalt  }
0x66: {  	_ =	shalt  }
0x67: {  	_ =	shalt  }
0x68: {  	_ =	shalt  }
0x69: {  	_ =	shalt  }
0x6a: {  	_ =	shalt  }
0x6b: {  	_ =	shalt  }
0x6c: {  	_ =	shalt  }
0x6d: {  	_ =	shalt  }
0x6e: {  	_ =	shalt  }
0x6f: {  	_ =	shalt  }
0x70: {  	_ =	shalt  }
0x71: {  	_ =	shalt  }
0x72: {  	_ =	shalt  }
0x73: {  	_ =	shalt  }
0x74: {  	_ =	shalt  }
0x75: {  	_ =	shalt  }
0x76: {  	_ =	shalt  }
0x77: {  	_ =	shalt  }
0x78: {  	_ =	shalt  }
0x79: {  	_ =	shalt  }
0x7a: {  	_ =	shalt  }
0x7b: {  	_ =	shalt  }
0x7c: {  	_ =	shalt  }
0x7d: {  	_ =	shalt  }
0x7e: {  	_ =	shalt  }
0x7f: {  	_ =	shalt  }
0x80: {  	_ =	shalt  }
0x81: {  	_ =	shalt  }
0x82: {  	_ =	shalt  }
0x83: {  	_ =	shalt  }
0x84: {  	_ =	shalt  }
0x85: {  	_ =	shalt  }
0x86: {  	_ =	shalt  }
0x87: {  	_ =	shalt  }
.Lfunc_end0:
.L_simem_size_0:
called_computation.1_lowered:
.L_overlay_start_0:
0x88: {  	s2 =	sld [smem:$0x3FD9]  }
0x89: {  	s3 =	sld [smem:$0x3FFE];
	_ =	sdelay $0x1  }
0x8a: {  	s1 =	srdreg.scid  }
0x8b: {  	s0 =	sand.u32 $0x1, s1  }
0x8c: {  	s15 =	sshll.u32 s0, $0xA;
	s2 =	sadd.s32 s3, s2  }
0x8d: {  	s2 =	sadd.s32 s2, s15  }
0x8e: {  	[smem:$0x3FA9] =	sst s2  }
0x8f: {  	_ = 	snop  }
0x90: {  	s2 =	sld [smem:$0x3FD0];
	_ =	sdelay $0x2  }
0x91: {  	s16 =	simm.s32 $0xB;
	s4 =	simm.s32 $0x10  }
0x92: {  	[smem:s4], [sflag:s16] =	dma.local [hbm:s2], $0x1  }
0x93: {  	_ =	swait.eq [sflag:s16], $0x1  }
0x94: {  	[sflag:s16] =	ssyncset.done $0x0  }
0x95: {  	[sflag:s16] =	ssyncadd.s32 $0xFFFFFFFF  }
0x96: {  	s17 =	sld [smem:$0x11];
	(tm) =	ssettm $0x1  }
0x97: {  	s18 =	sld [smem:$0x3FFB];
	_ =	sdelay $0x3  }
0x98: {  	_ =	strace s18  }
0x99: {  	s2 =	sld [smem:$0x3FFC];
	_ =	sdelay $0x3  }
0x9a: {  	_ =	strace s2  }
0x9b: {  	s2 =	sld [smem:$0x3FFD];
	_ =	sdelay $0x3  }
0x9c: {  	_ =	strace s2  }
0x9d: {  	_ =	strace $0x8FFFFFFF  }
0x9e: {  	s19 =	sld [smem:$0x3FDB];
	_ =	sdelay $0x1  }
0x9f: {  	s20 =	simm.s32 $_scs_section_size  }
0xa0: {  	s5 =	simm.s32 $_size__tile_overlayer_lowered;
	s6 =	simm.s32 $_tile_overlayer_lowered  }
0xa1: {  	s7 =	simm.s32 $0x1BFF;
	s21 =	sshll.u32 s6, $0x1;
	s4 =	sadd.s32 s20, s19  }
0xa2: {  	s22 =	simm.s32 $0x0;
	s5 =	sshll.u32 s5, $0x1;
	s6 =	sadd.s32 s21, s4  }
0xa3: {  	[timem:s22], [sflag:s7] =	dma.local [hbm:s6], s5  }
0xa4: {  	_ =	swait.ge [sflag:s7], s5  }
0xa5: {  	s5 =	ssub.s32 $0x0, s5;
	[sflag:s7] =	ssyncset.done $0x0  }
0xa6: {  	[sflag:s7] =	ssyncadd.s32 s5;
	_ =	sdelay $0x1  }
0xa7: {  	s23 =	simm.s32 $0x1B8B  }
0xa8: {  	_ =	swait.ge [sflag:s23], $0x1  }
0xa9: {  	[sflag:s23] =	ssyncset.done $0x0  }
0xaa: {  	[sflag:s23] =	ssyncadd.s32 $0xFFFFFFFF  }
0xab: {  	s5 =	sld [smem:$0x0]  }
0xac: {  	s6 =	sand.u32 $0xFFFFFFFE, s1  }
0xad: {  	p0 =	sne.s32 s1, s6  }
0xae: {  	s6 =	sshll.u32 @p0 s6, $0xE  }
0xaf: {  	s6 =	sadd.s32 @p0 $0x11B8D, s6;
	s7 =	sshll.u32 @p0 s5, $0x11  }
0xb0: {  	s6 =	sor.u32 @p0 s7, s6  }
0xb1: {  	[sflag:s6] =	ssyncadd.remote.s32 @p0 $0x1;
	_ =	sdelay $0x1  }
0xb2: {  	s6 =	simm.s32 @p0 $0x1B8D  }
0xb3: {  	_ =	swait.eq @p0 [sflag:s6], $0x1  }
0xb4: {  	[sflag:s6] =	ssyncadd.s32 @p0 $0xFFFFFFFF  }
0xb5: {  	s7 =	sshll.u32 @!p0 s1, $0xE  }
0xb6: {  	s7 =	sor.u32 @!p0 $0x4000, s7;
	s6 =	simm.s32 @!p0 $0x1B8D  }
0xb7: {  	s5 =	sshll.u32 @!p0 s5, $0x11;
	s7 =	sadd.s32 @!p0 $0x11B8D, s7;
	_ =	swait.eq @!p0 [sflag:s6], $0x1  }
0xb8: {  	s5 =	sor.u32 @!p0 s5, s7;
	[sflag:s6] =	ssyncadd.s32 @!p0 $0xFFFFFFFF  }
0xb9: {  	s25 =	simm.s32 $0x1B8E;
	s24 =	sld [smem:$0x3FFE];
	[sflag:s5] =	ssyncadd.remote.s32 @!p0 $0x1  }
0xba: {  	s26 =	simm.s32 $execute0_lowered;
	[smem:$0x3FD2] =	sst s25  }
0xbb: {  	s6 =	sshll.u32 s26, $0x1;
	_ =	strace $0x80000049;
	[dreg:$0x1] =	wrdreg $0xFFFFFFFF  }
0xbc: {  	s28 =	simm.s32 $_size_execute0_lowered;
	s4 =	sadd.s32 s4, s6;
	[dreg:$0x0] =	wrdreg $0x0  }
0xbd: {  	s6 =	sshll.u32 s28, $0x1;
	[dreg:$0x2] =	wrdreg s4  }
0xbe: {  	[dreg:$0x3] =	wrdreg s6  }
0xbf: {  	[dreg:$0x4] =	wrdreg $0xC0  }
0xc0: {  	_ =	task [dreg:s22], $0x5FFFF  }
0xc1: {  	[dreg:$0x1] =	wrdreg $0xFFFFFFFF  }
0xc2: {  	[dreg:$0x0] =	wrdreg $0x60  }
0xc3: {  	[dreg:$0x2] =	wrdreg s24  }
0xc4: {  	[dreg:$0x3] =	wrdreg s17  }
0xc5: {  	[dreg:$0x4] =	wrdreg $0xA  }
0xc6: {  	_ =	task.clear_ibuf [dreg:s22], $0x5FFFF;
	_ =	strace $0x90000049  }
0xc7: {  	s29 =	simm.s32 $0xA;
	_ =	strace $0x8000004B  }
0xc8: {  	_ =	swait.ge [sflag:s29], $0x1  }
0xc9: {  	[sflag:s29] =	ssyncadd.s32 $0xFFFFFFFF  }
0xca: {  	_ =	strace $0x9000004B  }
0xcb: {  	_ =	sfence  }
0xcc: {  	s30 =	sld [smem:$0x0];
	_ =	sdelay $0x2  }
0xcd: {  	s31 =	sshll.u32 s1, $0xD;
	s1 =	sshrl.u32 s1, $0x2  }
0xce: {  	s4 =	sand.u32 $0x4000, s31;
	s1 =	sadd.s32 s1, s30  }
0xcf: {  	s0 =	sor.u32 s4, s0;
	s1 =	sshll.u32 s1, $0x11  }
0xd0: {  	s0 =	sor.u32 s1, s0  }
0xd1: {  	s0 =	sadd.s32 $0x8F2B, s0  }
0xd2: {  	[sflag:s0] =	ssyncadd.remote.s32 $0x1  }
0xd3: {  	_ =	sfence.sel $0xFFFF  }
0xd4: {  	[dreg:$0x0] =	wrdreg $0xFFFFFFFF;
	(pc) =	sbr.abs _section_cstart, $3  }
0xd5: {  	[dreg:$0x1] =	wrdreg $0xFFFFFFFF  }
0xd6: {  	_ =	task.clear_ibuf [dreg:s22], $0x2FFFF;
	_ =	strace $0x9FFFFFFF  }
0xd7: {  	(tm) =	ssettm $0x7FFFFFFF  }
tec
execute0_lowered:
.L_overlay_start_1:
0x0: {  	(tag) =	ssettag $0x1  }
0x1: {  	s11 =	rddreg [dreg:$0x0]  }
0x2: {  	s1 =	srdreg.scid;
	s0 =	stileid.u32  }
0x3: {  	s3 =	rddreg [dreg:$0x1];
	s12 =	sand.u32 $0x1, s1;
	s4 =	sshll.u32 s0, $0x1  }
0x4: {  	s2 =	simm.s32 $0x0;
	s1 =	rddreg [dreg:$0x2];
	s13 =	sor.u32 s12, s4  }
0x5: {  	[smem:$0x7FF] =	sst s2;
	s4 =	sshll.u32 s13, $0x5  }
0x6: {  	_ =	strace $0x8000004A;
	s4 =	sadd.s32 s3, s4;
	s3 =	simm.s32 $0x2  }
0x7: {  	[tilespmem:s2], [sflag:$0x2] =	stream.linear.gather [hbm4b:s4+s2], $0x100, $0x38;
	[tilespmem:$0x6900] =	vst v63  }
0x8: {  	_ =	swait.ge [sflag:s3], $0x100  }
0x9: {  	s6 =	simm.s32 $0x68;
	s7 =	simm.s32 $0x100;
	[sflag:s3] =	ssyncset.done $0x0  }
0xa: {  	s8 =	simm.s32 $0x80;
	s5 =	sadd.s32 $0x1BE00, s11;
	[sflag:s3] =	ssyncadd.s32 $0xFFFFFF00  }
0xb: {  	[tilespmem:s7], [sflag:$0x1] =	stream.indirect.gather [hbm4b:s5+s6], $0x80, s2, s6, $0xb8;
	[tilespmem:$0x6900] =	vst v63  }
0xc: {  	s9 =	simm.s32 $0x3500;
	s10 =	simm.s32 $0x1;
	s12 =	ssub.s32 $0x2, s12  }
0xd: {  	[tilespmem:s9], [sflag:$0x1] =	stream.indirect.gather [hbm4b:s5+s6], $0x80, s8, s6, $0xb8;
	[tilespmem:$0x6900] =	vst v63  }
0xe: {  	s14 =	sshrl.u32 s12, $0x1;
	_ =	swait.ge [sflag:s10], $0x3400  }
0xf: {  	s12 =	ssub.s32 s12, s14;
	[sflag:s10] =	ssyncset.done $0x0  }
0x10: {  	s13 =	smul.u32 $0xD00, s13;
	s12 =	smax.u32 s12, $0x1;
	[sflag:s10] =	ssyncadd.s32 $0xFFFFCC00  }
0x11: {  	p0 =	sne.s32 s12, $0x1;
	_ =	swait.ge [sflag:s10], $0x3400  }
.Ltmp0:
0x12: {  	s11 =	sadd.s32 s13, s11;
	[sflag:s10] =	ssyncset.done $0x0;
	(pc) =	sbr.rel @!p0 .LBB2_2-.Ltmp0, $4  }
0x13: {  	s11 =	sadd.s32 $0x3CA00, s11;
	[sflag:s10] =	ssyncadd.s32 $0xFFFFCC00  }
0x14: {  	[hbm4b:s11+s2] =	stream.linear.scatter [tilespmem:s7], [sflag:$0x2], $0x6800, $0x38;
	[tilespmem:$0x6900] =	vst v63  }
0x15: {  	_ =	swait.ge [sflag:s3], $0x6800  }
0x16: {  	s12 =	sadd.s32 $0xFFFFFFFF, s12;
	[sflag:s3] =	ssyncset.done $0x0  }
.LBB2_1:
0x17: {  	p0 =	sne.s32 s12, $0x1;
	s12 =	sadd.s32 $0xFFFFFFFF, s12;
	[sflag:s3] =	ssyncadd.s32 $0xFFFF9800  }
0x18: {  	[tilespmem:s2], [sflag:$0x2] =	stream.linear.gather [hbm4b:s4+s2], $0x100, $0x38;
	[tilespmem:$0x6900] =	vst v63  }
0x19: {  	_ =	swait.ge [sflag:s3], $0x100  }
0x1a: {  	[sflag:s3] =	ssyncset.done $0x0  }
0x1b: {  	[sflag:s3] =	ssyncadd.s32 $0xFFFFFF00  }
0x1c: {  	[tilespmem:s7], [sflag:$0x1] =	stream.indirect.gather [hbm4b:s5+s6], $0x80, s2, s6, $0xb8;
	[tilespmem:$0x6900] =	vst v63  }
0x1d: {  	_ = 	snop  }
0x1e: {  	[tilespmem:s9], [sflag:$0x1] =	stream.indirect.gather [hbm4b:s5+s6], $0x80, s8, s6, $0xb8;
	[tilespmem:$0x6900] =	vst v63  }
0x1f: {  	_ =	swait.ge [sflag:s10], $0x3400  }
0x20: {  	[sflag:s10] =	ssyncset.done $0x0  }
0x21: {  	[sflag:s10] =	ssyncadd.s32 $0xFFFFCC00  }
0x22: {  	_ =	swait.ge [sflag:s10], $0x3400  }
.Ltmp1:
0x23: {  	[sflag:s10] =	ssyncset.done $0x0;
	(pc) =	sbr.rel @p0 .LBB2_1-.Ltmp1, $4  }
0x24: {  	[sflag:s10] =	ssyncadd.s32 $0xFFFFCC00  }
0x25: {  	[hbm4b:s11+s2] =	stream.linear.scatter [tilespmem:s7], [sflag:$0x2], $0x6800, $0x38;
	[tilespmem:$0x6900] =	vst v63  }
0x26: {  	_ =	swait.ge [sflag:s3], $0x6800  }
0x27: {  	[sflag:s3] =	ssyncset.done $0x0  }
.LBB2_2:
0x28: {  	[sflag:s3] =	ssyncadd.s32 $0xFFFF9800  }
0x29: {  	_ =	sfence.sel $0x180000  }
0x2a: {  	[bflag:$0x0] =	sbarrier.arrive $0xFFFF  }
0x2b: {  	p0 =	sne.s32 s0, $0x0;
	_ =	strace $0x9000004A  }
0x2c: {  	s0 =	sadd.s32 @!p0 $0x100000, s1;
	[bflag:$0x2] =	sbarrier.arrive $0xFFFF  }
0x2d: {  	[sflag:s0] =	ssyncadd.tile.s32 @!p0 $0x1;
	_ =	shalt  }
.Lfunc_end2:
_tile_overlayer_lowered:
.L_overlay_start_2:
0x2e: {  	(tag) =	ssettag $0x2  }
0x2f: {  	s0 =	rddreg [dreg:$0x0];
	s2 =	stileid.u32  }
0x30: {  	s1 =	rddreg [dreg:$0x1];
	p0 =	sne.s32 s2, $0x0  }
0x31: {  	s3 =	rddreg [dreg:$0x2];
	[bflag:$0x3] =	sbarrier.arrive $0xFFFF;
	s2 =	simm.s32 @!p0 $0x1C02  }
0x32: {  	[timem:s3], [sflag:s2] =	dma.local @!p0 [hbm:s0], s1  }
0x33: {  	s0 =	simm.s32 @!p0 $0x2  }
0x34: {  	_ =	swait.ge @!p0 [sflag:s0], s1  }
0x35: {  	s1 =	ssub.s32 @!p0 $0x0, s1;
	[sflag:s0] =	ssyncset.done @!p0 $0x0  }
0x36: {  	[sflag:s0] =	ssyncadd.s32 @!p0 s1  }
0x37: {  	[bflag:$0x3] =	sbarrier.arrive $0xFFFF  }
0x38: {  	_ =	shalt  }

// kernel: scatter_offload_async_start
scs
__scs_entry_jumppad:
0x0: {  	(pc) =	sbr.rel $0x88, $3  }
0x1: {  	(tag) =	ssettag $0x0;
	lr =	simm.s32 $0x1  }
0x2: {  	[smem:$0x3F82] =	sst lr;
	_ =	strace $0xD0000000  }
0x3: {  	_ = 	snop  }
0x4: {  	_ = 	snop  }
0x5: {  	_ = 	snop  }
0x6: {  	_ = 	snop  }
0x7: {  	_ = 	snop  }
__scs_overlays_trampoline_lowered:
0x8: {  	[smem:$0x3F91] =	sst s0  }
0x9: {  	[smem:$0x3F92] =	sst s1  }
0xa: {  	[smem:$0x3F93] =	sst s2  }
0xb: {  	[smem:$0x3F94] =	sst s3  }
0xc: {  	[smem:$0x3F95] =	sst s4  }
0xd: {  	[smem:$0x3F96] =	sst s5  }
0xe: {  	[smem:$0x3F97] =	sst s6  }
0xf: {  	[smem:$0x3F98] =	sst s7  }
0x10: {  	[smem:$0x3F99] =	sst s8  }
0x11: {  	[smem:$0x3F9A] =	sst s9;
	s0 =	simm.s32 @!p0 $0x0  }
0x12: {  	s1 =	sld [smem:$0x3F80];
	s0 =	simm.s32 @p0 $0x1  }
0x13: {  	[smem:$0x3F9B] =	sst s0;
	s0 =	simm.s32 @!p1 $0x0  }
0x14: {  	s2 =	sld [smem:$0x3F7F];
	s0 =	simm.s32 @p1 $0x1  }
0x15: {  	[smem:$0x3F9C] =	sst s0;
	s0 =	simm.s32 @!p2 $0x0  }
0x16: {  	s3 =	sld [smem:$0x3FDB];
	s0 =	simm.s32 @p2 $0x1  }
0x17: {  	s4 =	simm.s32 $0x1BF5;
	[smem:$0x3F9E] =	sst s0  }
0x18: {  	s0 =	sld [smem:$0x3F81];
	_ =	swait.ge [sflag:s4], $0x0  }
0x19: {  	s7 =	sld [smem:$0x3F82]  }
0x1a: {  	s8 =	sadd.s32 $0xFFFFE003, lr  }
0x1b: {  	s9 =	sadd.s32 $0xFFFFFEF7, lr;
	s5 =	simm.s32 $0xFFFFFFFF;
	p2 =	slt.u32 s8, $0xFFFFF086  }
0x1c: {  	p1 =	slt.u32 s9, $0xF7A;
	s5 =	simm.s32 @!p2 $0x0  }
0x1d: {  	s5 =	simm.s32 @p1 $0x1;
	p0 =	seq.s32 s7, s2  }
0x1e: {  	s7 =	smul.u32 @!p0 $0xF7A, s2;
	p2 =	seq.s32 @!p0 s5, $0x0  }
0x1f: {  	s9 =	smul.u32 $0xF7A, s1;
	s8 =	simm.s32 @!p0 $0x1BF5;
	p2 =	por !p2, p0  }
0x20: {  	[sflag:s8] =	ssyncset.s32 @!p0 $0xFFFFF086;
	s6 =	sadd.s32 @!p0 s3, s7;
	s7 =	simm.s32 @!p0 $0x108  }
0x21: {  	s3 =	sadd.s32 s3, s9;
	s6 =	sadd.s32 @!p0 $0x88, s6;
	s7 =	simm.s32 @p2 $0x1082  }
0x22: {  	[simem:s7], [sflag:s8] =	dma.local @!p0 [hbm:s6], $0xF7A  }
0x23: {  	s9 =	sor.u32 $0xD0000000, s2;
	s6 =	simm.s32 $0x108;
	_ =	swait.ge @!p0 [sflag:s8], $0x0  }
0x24: {  	s3 =	sadd.s32 $0x88, s3;
	s6 =	simm.s32 @!p1 $0x1082;
	[sflag:s4] =	ssyncset.s32 $0xFFFFF086  }
0x25: {  	[simem:s6], [sflag:s4] =	dma.local [hbm:s3], $0xF7A  }
0x26: {  	[smem:$0x3F82] =	sst s1;
	(tag) =	ssettag s2;
	_ =	strace s9  }
0x27: {  	s1 =	sld [smem:$0x3F92]  }
0x28: {  	s2 =	sld [smem:$0x3F93]  }
0x29: {  	s4 =	sld [smem:$0x3F95]  }
0x2a: {  	p0 =	seq.s32 s5, $0x0;
	s5 =	sld [smem:$0x3F96]  }
0x2b: {  	s6 =	sld [smem:$0x3F97]  }
0x2c: {  	s7 =	sld [smem:$0x3F98]  }
0x2d: {  	s3 =	simm.s32 $0x108;
	s8 =	sld [smem:$0x3F99]  }
0x2e: {  	s3 =	simm.s32 @!p0 $0x1082;
	s9 =	sld [smem:$0x3F9A]  }
0x2f: {  	lr =	sadd.s32 s0, s3;
	s0 =	sld [smem:$0x3F91]  }
0x30: {  	s3 =	sld [smem:$0x3F94]  }
0x31: {  	[smem:$0x3F9D] =	sst s10  }
0x32: {  	s10 =	sld [smem:$0x3F9B];
	_ =	sdelay $0x3  }
0x33: {  	p0 =	seq.s32 s10, $0x1;
	s10 =	sld [smem:$0x3F9D];
	_ =	sdelay $0x3  }
0x34: {  	[smem:$0x3F9D] =	sst s10  }
0x35: {  	s10 =	sld [smem:$0x3F9C];
	_ =	sdelay $0x3  }
0x36: {  	p1 =	seq.s32 s10, $0x1;
	s10 =	sld [smem:$0x3F9D];
	_ =	sdelay $0x3  }
0x37: {  	[smem:$0x3F9D] =	sst s10  }
0x38: {  	s10 =	sld [smem:$0x3F9E]  }
0x39: {  	_ = 	snop;
	(pc) =	sbr.ind lr, $3  }
0x3a: {  	_ = 	snop  }
0x3b: {  	_ = 	snop  }
0x3c: {  	p2 =	seq.s32 s10, $0x1;
	s10 =	sld [smem:$0x3F9D]  }
0x3d: {  	_ =	shalt  }
0x3e: {  	_ =	shalt  }
0x3f: {  	_ =	shalt  }
0x40: {  	_ =	shalt  }
0x41: {  	_ =	shalt  }
0x42: {  	_ =	shalt  }
0x43: {  	_ =	shalt  }
0x44: {  	_ =	shalt  }
0x45: {  	_ =	shalt  }
0x46: {  	_ =	shalt  }
0x47: {  	_ =	shalt  }
0x48: {  	_ =	shalt  }
0x49: {  	_ =	shalt  }
0x4a: {  	_ =	shalt  }
0x4b: {  	_ =	shalt  }
0x4c: {  	_ =	shalt  }
0x4d: {  	_ =	shalt  }
0x4e: {  	_ =	shalt  }
0x4f: {  	_ =	shalt  }
0x50: {  	_ =	shalt  }
0x51: {  	_ =	shalt  }
0x52: {  	_ =	shalt  }
0x53: {  	_ =	shalt  }
0x54: {  	_ =	shalt  }
0x55: {  	_ =	shalt  }
0x56: {  	_ =	shalt  }
0x57: {  	_ =	shalt  }
0x58: {  	_ =	shalt  }
0x59: {  	_ =	shalt  }
0x5a: {  	_ =	shalt  }
0x5b: {  	_ =	shalt  }
0x5c: {  	_ =	shalt  }
0x5d: {  	_ =	shalt  }
0x5e: {  	_ =	shalt  }
0x5f: {  	_ =	shalt  }
0x60: {  	_ =	shalt  }
0x61: {  	_ =	shalt  }
0x62: {  	_ =	shalt  }
0x63: {  	_ =	shalt  }
0x64: {  	_ =	shalt  }
0x65: {  	_ =	shalt  }
0x66: {  	_ =	shalt  }
0x67: {  	_ =	shalt  }
0x68: {  	_ =	shalt  }
0x69: {  	_ =	shalt  }
0x6a: {  	_ =	shalt  }
0x6b: {  	_ =	shalt  }
0x6c: {  	_ =	shalt  }
0x6d: {  	_ =	shalt  }
0x6e: {  	_ =	shalt  }
0x6f: {  	_ =	shalt  }
0x70: {  	_ =	shalt  }
0x71: {  	_ =	shalt  }
0x72: {  	_ =	shalt  }
0x73: {  	_ =	shalt  }
0x74: {  	_ =	shalt  }
0x75: {  	_ =	shalt  }
0x76: {  	_ =	shalt  }
0x77: {  	_ =	shalt  }
0x78: {  	_ =	shalt  }
0x79: {  	_ =	shalt  }
0x7a: {  	_ =	shalt  }
0x7b: {  	_ =	shalt  }
0x7c: {  	_ =	shalt  }
0x7d: {  	_ =	shalt  }
0x7e: {  	_ =	shalt  }
0x7f: {  	_ =	shalt  }
0x80: {  	_ =	shalt  }
0x81: {  	_ =	shalt  }
0x82: {  	_ =	shalt  }
0x83: {  	_ =	shalt  }
0x84: {  	_ =	shalt  }
0x85: {  	_ =	shalt  }
0x86: {  	_ =	shalt  }
0x87: {  	_ =	shalt  }
.Lfunc_end0:
.L_simem_size_0:
called_computation_lowered:
.L_overlay_start_0:
0x88: {  	s0 =	sld [smem:$0x3FD9]  }
0x89: {  	s1 =	sld [smem:$0x3FFE];
	_ =	sdelay $0x3  }
0x8a: {  	s0 =	sadd.s32 s1, s0  }
0x8b: {  	[smem:$0x3FA9] =	sst s0  }
0x8c: {  	_ = 	snop  }
0x8d: {  	(tm) =	ssettm $0x1  }
0x8e: {  	s15 =	sld [smem:$0x3FFB];
	_ =	sdelay $0x3  }
0x8f: {  	_ =	strace s15  }
0x90: {  	s0 =	sld [smem:$0x3FFC];
	_ =	sdelay $0x3  }
0x91: {  	_ =	strace s0  }
0x92: {  	s0 =	sld [smem:$0x3FFD];
	_ =	sdelay $0x3  }
0x93: {  	_ =	strace s0  }
0x94: {  	_ =	strace $0x8FFFFFFF  }
0x95: {  	s16 =	sld [smem:$0x3FDB];
	_ =	sdelay $0x1  }
0x96: {  	s17 =	simm.s32 $_scs_section_size  }
0x97: {  	s2 =	simm.s32 $_size__tile_overlayer_lowered;
	s3 =	simm.s32 $_tile_overlayer_lowered  }
0x98: {  	s20 =	simm.s32 $0x1BFF;
	s19 =	sshll.u32 s3, $0x1;
	s0 =	sadd.s32 s17, s16  }
0x99: {  	s4 =	simm.s32 $0x0;
	s18 =	sshll.u32 s2, $0x1;
	s2 =	sadd.s32 s19, s0  }
0x9a: {  	[timem:s4], [sflag:s20] =	dma.local [hbm:s2], s18  }
0x9b: {  	_ =	swait.ge [sflag:s20], s18  }
0x9c: {  	s1 =	ssub.s32 $0x0, s18;
	[sflag:s20] =	ssyncset.done $0x0  }
0x9d: {  	[sflag:s20] =	ssyncadd.s32 s1;
	_ =	sdelay $0x1  }
0x9e: {  	s21 =	simm.s32 $0x1B8B  }
0x9f: {  	_ =	swait.ge [sflag:s21], $0x1  }
0xa0: {  	[sflag:s21] =	ssyncset.done $0x0  }
0xa1: {  	s23 =	simm.s32 $0x1B8E;
	s22 =	sld [smem:$0x3FFE];
	[sflag:s21] =	ssyncadd.s32 $0xFFFFFFFF  }
0xa2: {  	s24 =	simm.s32 $execute0_lowered;
	[smem:$0x3FD2] =	sst s23  }
0xa3: {  	s2 =	sshll.u32 s24, $0x1;
	_ =	strace $0x80000046;
	[dreg:$0x1] =	wrdreg $0xFFFFFFFF  }
0xa4: {  	s25 =	simm.s32 $_size_execute0_lowered;
	s0 =	sadd.s32 s0, s2;
	[dreg:$0x0] =	wrdreg $0x0  }
0xa5: {  	s2 =	sshll.u32 s25, $0x1;
	[dreg:$0x2] =	wrdreg s0  }
0xa6: {  	[dreg:$0x3] =	wrdreg s2  }
0xa7: {  	[dreg:$0x4] =	wrdreg $0xC0  }
0xa8: {  	_ =	task [dreg:s4], $0x5FFFF  }
0xa9: {  	[dreg:$0x1] =	wrdreg $0xFFFFFFFF  }
0xaa: {  	[dreg:$0x0] =	wrdreg $0x60  }
0xab: {  	[dreg:$0x2] =	wrdreg s22  }
0xac: {  	[dreg:$0x3] =	wrdreg $0x9  }
0xad: {  	_ =	task.clear_ibuf [dreg:s4], $0x4FFFF;
	_ =	strace $0x90000046  }
0xae: {  	s26 =	simm.s32 $0x9;
	_ =	strace $0x80000048  }
0xaf: {  	_ =	swait.ge [sflag:s26], $0x1  }
0xb0: {  	[sflag:s26] =	ssyncadd.s32 $0xFFFFFFFF  }
0xb1: {  	_ =	strace $0x90000048  }
0xb2: {  	_ =	sfence  }
0xb3: {  	s28 =	sld [smem:$0x0];
	_ =	sdelay $0x1  }
0xb4: {  	s29 =	srdreg.scid  }
0xb5: {  	s30 =	sshll.u32 s29, $0xD;
	s31 =	sshrl.u32 s29, $0x2  }
0xb6: {  	s1 =	sand.u32 $0x1, s29;
	s2 =	sand.u32 $0x4000, s30;
	s0 =	sadd.s32 s31, s28  }
0xb7: {  	s1 =	sor.u32 s2, s1;
	s0 =	sshll.u32 s0, $0x11  }
0xb8: {  	s0 =	sor.u32 s0, s1  }
0xb9: {  	s0 =	sadd.s32 $0x8F2B, s0  }
0xba: {  	[sflag:s0] =	ssyncadd.remote.s32 $0x1  }
0xbb: {  	_ =	sfence.sel $0xFFFF  }
0xbc: {  	[dreg:$0x0] =	wrdreg $0xFFFFFFFF;
	(pc) =	sbr.abs _section_cstart, $3  }
0xbd: {  	[dreg:$0x1] =	wrdreg $0xFFFFFFFF  }
0xbe: {  	_ =	task.clear_ibuf [dreg:s4], $0x2FFFF;
	_ =	strace $0x9FFFFFFF  }
0xbf: {  	(tm) =	ssettm $0x7FFFFFFF  }
tec
execute0_lowered:
.L_overlay_start_1:
0x0: {  	(tag) =	ssettag $0x1  }
0x1: {  	s7 =	rddreg [dreg:$0x0]  }
0x2: {  	s0 =	rddreg [dreg:$0x1]  }
0x3: {  	_ =	strace $0x80000047;
	s3 =	stileid.u32;
	s5 =	simm.s32 $0x3E  }
0x4: {  	s1 =	sadd.s32 $0x3C200, s7;
	p0 =	sne.s32 s3, $0x0;
	[sflag:s5] =	ssyncpa.u1 $0x0  }
0x5: {  	s29 =	smin.u32 s3, $0xC;
	s2 =	simm.s32 @!p0 $0x1C3E;
	s4 =	simm.s32 @!p0 $0x0  }
0x6: {  	[spmem:s4], [sflag:s2] =	dma.local @!p0 [hbm:s1], $0x400  }
0x7: {  	s2 =	sadd.s32 s3, s29  }
0x8: {  	p1 =	slt.u32 s3, $0xC;
	s3 =	simm.s32 $0x1C0;
	s2 =	smul.u32 $0xE0, s2  }
0x9: {  	s3 =	simm.s32 @!p1 $0xE0  }
0xa: {  	s3 =	sadd.s32 s3, s2  }
0xb: {  	s3 =	smin.u32 s3, $0x1880  }
0xc: {  	s6 =	ssub.s32 s3, s2  }
0xd: {  	p1 =	sgt.s32 s6, $0x0  }
0xe: {  	s6 =	simm.s32 @!p1 $0x0  }
0xf: {  	s30 =	sand.u32 $0xFFE0, s6  }
0x10: {  	s8 =	simm.s32 @!p0 $0x3E;
	s4 =	sshrl.u32 s30, $0x5  }
0x11: {  	_ =	swait.ge @!p0 [sflag:s8], $0x400;
	s4 =	smul.u32 $0x2493, s4  }
0x12: {  	[sflag:s8] =	ssyncset.done @!p0 $0x0  }
0x13: {  	s10 =	simm.s32 $0x0;
	[sflag:s8] =	ssyncadd.s32 @!p0 $0xFFFFFC00;
	s31 =	sshrl.u32 s4, $0x10  }
0x14: {  	s11 =	simm.s32 $0x0;
	[bflag:$0x0] =	sbarrier.arrive $0xFFFF;
	s9 =	smul.u32 $0xE0, s31  }
.Ltmp0:
0x15: {  	s12 =	smov.u32 s2;
	[sflag:s5] =	ssyncpa.u1 $0x1;
	(pc) =	sbr.rel .LBB2_1-.Ltmp0, $4  }
0x16: {  	s5 =	simm.s32 $0x1;
	p1 =	sne.s32 s6, s9;
	s9 =	simm.s32 $0x1  }
0x17: {  	[sflag:s5] =	ssyncpa.u1 $0x0;
	(ifvalue) =	ssetifvalue $0x2000;
	s9 =	simm.s32 @!p1 $0x0  }
0x18: {  	s4 =	sadd.s32 $0x3BE00, s7;
	s6 =	simm.s32 $0x2;
	s8 =	sadd.s32 s31, s9  }
0x19: {  	vm0 =	vmmov $0xffff;
	s7 =	sadd.s32 $0x3C600, s7;
	[sflag:s6] =	ssyncpa.u1 $0x0;
	s9 =	sadd.s32 $0x1, s8  }
.LBB2_3:
0x1a: {  	s11 =	sadd.s32 $0x1, s11  }
0x1b: {  	p2 =	sne.s32 s9, s11  }
.Ltmp1:
0x1c: {  	_ = 	snop;
	(pc) =	sbr.rel @!p2 .LBB2_4-.Ltmp1, $4  }
0x1d: {  	_ = 	snop  }
0x1e: {  	s13 =	sadd.s32 $0xE0, s12  }
0x1f: {  	s12 =	smov.u32 s2;
	p1 =	slt.s32 s13, s3  }
0x20: {  	s12 =	smov.u32 @p1 s13  }
.LBB2_1:
0x21: {  	p1 =	sge.u32 s11, s8  }
0x22: {  	s13 =	sxor.u32 @!p1 $0xFFFFFFFF, s11  }
0x23: {  	s13 =	sand.u32 @!p1 $0x1, s13  }
0x24: {  	s13 =	smul.u32 @!p1 $0xE0, s13  }
0x25: {  	s14 =	sshrl.u32 @!p1 s12, $0x3  }
0x26: {  	s17 =	sand.u32 @!p1 $0x7, s12;
	s15 =	sadd.s32 @!p1 s4, s14;
	s16 =	sor.u32 @!p1 $0x200, s13  }
0x27: {  	[tilespmem:s16], [sflag:$0x2] =	stream.linear.gather @!p1 [hbm4b:s15+s17], $0xE0, $0x38;
	[tilespmem:$0x580] =	vst v63  }
0x28: {  	s14 =	sadd.s32 @!p1 s7, s14;
	s13 =	sadd.s32 @!p1 $0x3C0, s13  }
0x29: {  	[tilespmem:s13], [sflag:$0x2] =	stream.linear.gather @!p1 [hbm4b:s14+s17], $0xE0, $0x38;
	[tilespmem:$0x580] =	vst v63  }
0x2a: {  	p1 =	seq.s32 s11, $0x0  }
.Ltmp2:
0x2b: {  	_ = 	snop;
	(pc) =	sbr.rel @p1 .LBB2_3-.Ltmp2, $1  }
0x2c: {  	_ =	sdelay $0x3  }
0x2d: {  	s13 =	sand.u32 $0x1, s11  }
0x2e: {  	_ =	swait.ge [sflag:s6], $0x1C0;
	p1 =	seq.s32 s13, $0x1;
	s13 =	simm.s32 $0xE0  }
0x2f: {  	[sflag:s6] =	ssyncset.done $0x0;
	s13 =	simm.s32 @!p1 $0x0  }
0x30: {  	[sflag:s6] =	ssyncadd.s32 $0xFFFFFE40;
	s14 =	sor.u32 $0x200, s13  }
0x31: {  	v0 =	vld.msk [tilespmem:s14+$0x0 ss:$0x1], $0xffff;
	_ =	sdelay $0x4  }
0x32: {  	v0 =	vmin.u32 v0, $0x2000;
	_ =	sdelay $0x3  }
0x33: {  	s17 =	sadd.s32 $0x3C0, s13;
	s18 =	sor.u32 $0x210, s13  }
0x34: {  	[spmem:s10] =	stream.indirect_vreg.scatter.add.s32 [tilespmem:s17], [sflag:$0x1], $0x1, v0, vm0, $0x4038;
	[tilespmem:$0x580] =	vst v63  }
0x35: {  	v0 =	vld.msk [tilespmem:s18+$0x0 ss:$0x1], $0xffff;
	_ =	sdelay $0x4  }
0x36: {  	v0 =	vmin.u32 v0, $0x2000;
	_ =	sdelay $0x3  }
0x37: {  	s19 =	sadd.s32 $0x3D0, s13  }
0x38: {  	[spmem:s10] =	stream.indirect_vreg.scatter.add.s32 [tilespmem:s19], [sflag:$0x1], $0x1, v0, vm0, $0x4038;
	[tilespmem:$0x580] =	vst v63  }
0x39: {  	v0 =	vld.msk [tilespmem:s13+$0x220 ss:$0x1], $0xffff;
	_ =	sdelay $0x4  }
0x3a: {  	v0 =	vmin.u32 v0, $0x2000;
	_ =	sdelay $0x3  }
0x3b: {  	s20 =	sadd.s32 $0x3E0, s13  }
0x3c: {  	[spmem:s10] =	stream.indirect_vreg.scatter.add.s32 [tilespmem:s20], [sflag:$0x1], $0x1, v0, vm0, $0x4038;
	[tilespmem:$0x580] =	vst v63  }
0x3d: {  	v0 =	vld.msk [tilespmem:s13+$0x230 ss:$0x1], $0xffff;
	_ =	sdelay $0x4  }
0x3e: {  	v0 =	vmin.u32 v0, $0x2000;
	_ =	sdelay $0x3  }
0x3f: {  	s21 =	sadd.s32 $0x3F0, s13  }
0x40: {  	[spmem:s10] =	stream.indirect_vreg.scatter.add.s32 [tilespmem:s21], [sflag:$0x1], $0x1, v0, vm0, $0x4038;
	[tilespmem:$0x580] =	vst v63  }
0x41: {  	v0 =	vld.msk [tilespmem:s13+$0x240 ss:$0x1], $0xffff;
	_ =	sdelay $0x4  }
0x42: {  	v0 =	vmin.u32 v0, $0x2000;
	_ =	sdelay $0x3  }
0x43: {  	s22 =	sor.u32 $0x400, s13  }
0x44: {  	[spmem:s10] =	stream.indirect_vreg.scatter.add.s32 [tilespmem:s22], [sflag:$0x1], $0x1, v0, vm0, $0x4038;
	[tilespmem:$0x580] =	vst v63  }
0x45: {  	v0 =	vld.msk [tilespmem:s13+$0x250 ss:$0x1], $0xffff;
	_ =	sdelay $0x4  }
0x46: {  	v0 =	vmin.u32 v0, $0x2000;
	_ =	sdelay $0x3  }
0x47: {  	s23 =	sor.u32 $0x410, s13  }
0x48: {  	[spmem:s10] =	stream.indirect_vreg.scatter.add.s32 [tilespmem:s23], [sflag:$0x1], $0x1, v0, vm0, $0x4038;
	[tilespmem:$0x580] =	vst v63  }
0x49: {  	v0 =	vld.msk [tilespmem:s13+$0x260 ss:$0x1], $0xffff;
	_ =	sdelay $0x4  }
0x4a: {  	v0 =	vmin.u32 v0, $0x2000;
	_ =	sdelay $0x3  }
0x4b: {  	s24 =	sadd.s32 $0x420, s13  }
0x4c: {  	[spmem:s10] =	stream.indirect_vreg.scatter.add.s32 [tilespmem:s24], [sflag:$0x1], $0x1, v0, vm0, $0x4038;
	[tilespmem:$0x580] =	vst v63  }
0x4d: {  	v0 =	vld.msk [tilespmem:s13+$0x270 ss:$0x1], $0xffff;
	_ =	sdelay $0x4  }
0x4e: {  	v0 =	vmin.u32 v0, $0x2000;
	_ =	sdelay $0x3  }
0x4f: {  	s25 =	sadd.s32 $0x430, s13  }
0x50: {  	[spmem:s10] =	stream.indirect_vreg.scatter.add.s32 [tilespmem:s25], [sflag:$0x1], $0x1, v0, vm0, $0x4038;
	[tilespmem:$0x580] =	vst v63  }
0x51: {  	v0 =	vld.msk [tilespmem:s13+$0x280 ss:$0x1], $0xffff;
	_ =	sdelay $0x4  }
0x52: {  	v0 =	vmin.u32 v0, $0x2000;
	_ =	sdelay $0x3  }
0x53: {  	s26 =	sadd.s32 $0x440, s13  }
0x54: {  	[spmem:s10] =	stream.indirect_vreg.scatter.add.s32 [tilespmem:s26], [sflag:$0x1], $0x1, v0, vm0, $0x4038;
	[tilespmem:$0x580] =	vst v63  }
0x55: {  	v0 =	vld.msk [tilespmem:s13+$0x290 ss:$0x1], $0xffff;
	_ =	sdelay $0x4  }
0x56: {  	v0 =	vmin.u32 v0, $0x2000;
	_ =	sdelay $0x3  }
0x57: {  	s28 =	sadd.s32 $0x450, s13  }
0x58: {  	[spmem:s10] =	stream.indirect_vreg.scatter.add.s32 [tilespmem:s28], [sflag:$0x1], $0x1, v0, vm0, $0x4038;
	[tilespmem:$0x580] =	vst v63  }
0x59: {  	v0 =	vld.msk [tilespmem:s13+$0x2A0 ss:$0x1], $0xffff;
	_ =	sdelay $0x4  }
0x5a: {  	v0 =	vmin.u32 v0, $0x2000;
	_ =	sdelay $0x3  }
0x5b: {  	s29 =	sadd.s32 $0x460, s13  }
0x5c: {  	[spmem:s10] =	stream.indirect_vreg.scatter.add.s32 [tilespmem:s29], [sflag:$0x1], $0x1, v0, vm0, $0x4038;
	[tilespmem:$0x580] =	vst v63  }
0x5d: {  	v0 =	vld.msk [tilespmem:s13+$0x2B0 ss:$0x1], $0xffff;
	_ =	sdelay $0x4  }
0x5e: {  	v0 =	vmin.u32 v0, $0x2000;
	_ =	sdelay $0x3  }
0x5f: {  	s30 =	sadd.s32 $0x470, s13  }
0x60: {  	[spmem:s10] =	stream.indirect_vreg.scatter.add.s32 [tilespmem:s30], [sflag:$0x1], $0x1, v0, vm0, $0x4038;
	[tilespmem:$0x580] =	vst v63  }
0x61: {  	v0 =	vld.msk [tilespmem:s13+$0x2C0 ss:$0x1], $0xffff;
	_ =	sdelay $0x4  }
0x62: {  	v0 =	vmin.u32 v0, $0x2000;
	_ =	sdelay $0x3  }
0x63: {  	s31 =	sadd.s32 $0x480, s13  }
0x64: {  	[spmem:s10] =	stream.indirect_vreg.scatter.add.s32 [tilespmem:s31], [sflag:$0x1], $0x1, v0, vm0, $0x4038;
	[tilespmem:$0x580] =	vst v63  }
0x65: {  	v0 =	vld.msk [tilespmem:s13+$0x2D0 ss:$0x1], $0xffff;
	_ =	sdelay $0x4  }
0x66: {  	v0 =	vmin.u32 v0, $0x2000;
	_ =	sdelay $0x3  }
.Ltmp3:
0x67: {  	s13 =	sadd.s32 $0x490, s13;
	(pc) =	sbr.rel .LBB2_3-.Ltmp3, $4  }
0x68: {  	[spmem:s10] =	stream.indirect_vreg.scatter.add.s32 [tilespmem:s13], [sflag:$0x1], $0x1, v0, vm0, $0x4038;
	[tilespmem:$0x580] =	vst v63  }
0x69: {  	_ =	swait.ge [sflag:s5], $0xE0  }
0x6a: {  	[sflag:s5] =	ssyncset.done $0x0  }
0x6b: {  	[sflag:s5] =	ssyncadd.s32 $0xFFFFFF20  }
.LBB2_4:
0x6c: {  	_ =	sfence.sel $0x180000  }
0x6d: {  	s2 =	simm.s32 $0x2;
	[bflag:$0x0] =	sbarrier.arrive $0xFFFF  }
0x6e: {  	s30 =	simm.s32 $0x1;
	[sflag:s2] =	ssyncpa.u1 $0x1  }
0x6f: {  	[sflag:s30] =	ssyncpa.u1 $0x1  }
0x70: {  	_ =	sfence.stream.spmem  }
0x71: {  	s31 =	simm.s32 $0x3D;
	[bflag:$0x0] =	sbarrier.arrive $0xFFFF  }
0x72: {  	s2 =	simm.s32 @p0 $0x3D;
	[sflag:s31] =	ssyncpa.u1 $0x0  }
0x73: {  	[sflag:s2] =	ssyncpa.u1 @p0 $0x1  }
0x74: {  	[bflag:$0x0] =	sbarrier.arrive @p0 $0xFFFF  }
0x75: {  	_ =	strace @p0 $0x90000047  }
0x76: {  	s3 =	simm.s32 @!p0 $0x1C3D;
	s2 =	simm.s32 @!p0 $0x0;
	[bflag:$0x2] =	sbarrier.arrive @p0 $0xFFFF  }
0x77: {  	[hbm:s1], [sflag:s3] =	dma.local @!p0 [spmem:s2], $0x400  }
0x78: {  	s1 =	simm.s32 @!p0 $0x3D  }
0x79: {  	_ =	swait.ge @!p0 [sflag:s1], $0x400  }
0x7a: {  	[sflag:s1] =	ssyncset.done @!p0 $0x0  }
0x7b: {  	[sflag:s1] =	ssyncadd.s32 @!p0 $0xFFFFFC00  }
0x7c: {  	[sflag:s1] =	ssyncpa.u1 @!p0 $0x1  }
0x7d: {  	[bflag:$0x0] =	sbarrier.arrive @!p0 $0xFFFF  }
0x7e: {  	_ =	strace @!p0 $0x90000047  }
0x7f: {  	s0 =	sadd.s32 @!p0 $0x100000, s0;
	[bflag:$0x2] =	sbarrier.arrive @!p0 $0xFFFF  }
0x80: {  	[sflag:s0] =	ssyncadd.tile.s32 @!p0 $0x1;
	_ =	shalt  }
.Lfunc_end2:
_tile_overlayer_lowered:
.L_overlay_start_2:
0x81: {  	(tag) =	ssettag $0x2  }
0x82: {  	s0 =	rddreg [dreg:$0x0];
	s2 =	stileid.u32  }
0x83: {  	s1 =	rddreg [dreg:$0x1];
	p0 =	sne.s32 s2, $0x0  }
0x84: {  	s3 =	rddreg [dreg:$0x2];
	[bflag:$0x3] =	sbarrier.arrive $0xFFFF;
	s2 =	simm.s32 @!p0 $0x1C01  }
0x85: {  	[timem:s3], [sflag:s2] =	dma.local @!p0 [hbm:s0], s1  }
0x86: {  	s0 =	simm.s32 @!p0 $0x1  }
0x87: {  	_ =	swait.ge @!p0 [sflag:s0], s1  }
0x88: {  	s1 =	ssub.s32 @!p0 $0x0, s1;
	[sflag:s0] =	ssyncset.done @!p0 $0x0  }
0x89: {  	[sflag:s0] =	ssyncadd.s32 @!p0 s1  }
0x8a: {  	[bflag:$0x3] =	sbarrier.arrive $0xFFFF  }
0x8b: {  	_ =	shalt  }

</sc_bundles>
